<compile_context>
chip_gen: v7x
topology: tpu7x:2x2x1
jax: 0.10.2.dev20260603
libtpu: 0.0.44.dev20260713+nightly
codegen_flags: <defaults>
</compile_context>

<pallas_src>
import functools

import jax
import jax.numpy as jnp
from jax import lax
from jax.experimental import pallas as pl
from jax.experimental.pallas import tpu as pltpu
from jax.experimental.pallas import tpu_sc as plsc

_SC_INFO = plsc.get_sparse_core_info()
_NUM_CORES = _SC_INFO.num_cores
_NUM_SUBCORES = _SC_INFO.num_subcores
_NUM_WORKERS = _NUM_CORES * _NUM_SUBCORES


@functools.lru_cache(maxsize=None)
def _make_broadcast(batch: int, length: int, features: int):
    assert length % _NUM_WORKERS == 0
    rows_per_worker = length // _NUM_WORKERS
    chunk = rows_per_worker
    while chunk * features * 4 * 2 > 256 * 1024:
        chunk //= 2
    assert rows_per_worker % chunk == 0
    nchunk = rows_per_worker // chunk

    mesh = plsc.VectorSubcoreMesh(core_axis_name="c", subcore_axis_name="s")

    @functools.partial(
        pl.kernel,
        mesh=mesh,
        out_type=jax.ShapeDtypeStruct((batch, length, features), jnp.float32),
        scratch_types=[
            pltpu.VMEM((chunk, features), jnp.float32),
            pltpu.VMEM((chunk, features), jnp.float32),
            pltpu.SemaphoreType.DMA,
            pltpu.SemaphoreType.DMA,
            pltpu.SemaphoreType.DMA,
        ],
    )
    def broadcast_rows(emb_hbm, out_hbm, buf0, buf1, sem_r, sem_w0, sem_w1):
        wid = lax.axis_index("s") * _NUM_CORES + lax.axis_index("c")
        base = wid * rows_per_worker
        bufs = (buf0, buf1)
        sems_w = (sem_w0, sem_w1)
        pending_w = [[], []]
        rd = pltpu.async_copy(emb_hbm.at[pl.ds(base, chunk)], buf0, sem_r)
        for g in range(nchunk):
            slot = g % 2
            rd.wait()
            if g + 1 < nchunk:
                nslot = (g + 1) % 2
                for d in pending_w[nslot]:
                    d.wait()
                rd = pltpu.async_copy(
                    emb_hbm.at[pl.ds(base + (g + 1) * chunk, chunk)],
                    bufs[nslot], sem_r)
            row = base + g * chunk
            pending_w[slot] = [
                pltpu.async_copy(
                    bufs[slot], out_hbm.at[b, pl.ds(row, chunk)], sems_w[slot])
                for b in range(batch)
            ]
        for p in pending_w:
            for d in p:
                d.wait()

    return broadcast_rows


def kernel(x, embedding):
    batch, length = x.shape[0], x.shape[1]
    features = embedding.shape[1]
    return _make_broadcast(batch, length, features)(embedding)

# --- scband reference (transcript-rebuilt; emitter-appended) ---
"""Pipeline reference for scband-fixed-embedding-163208757812 (READ-ONLY COPY).

The authoritative reference and input builder live on the scoring server;
editing this copy changes nothing except your own understanding.
"""

import jax, jax.numpy as jnp
import numpy as np

MAX_LENGTH = 8192
FEATURES = 1024

def setup_inputs(seed: int = 0) -> dict:
    key = jax.random.key(seed)
    k_x, k_emb = jax.random.split(key)
    x = jax.random.normal(k_x, (4, 8192, 1024), dtype=jnp.float32)
    embedding = jax.random.normal(k_emb, (MAX_LENGTH, FEATURES), dtype=jnp.float32) * 0.02
    return {"x": x, "embedding": embedding}

def reference(x, embedding):
    batch_size, length = x.shape[0], x.shape[1]
    assert length <= MAX_LENGTH, 'Input sequence length must be <= max_length'
    position = jnp.arange(length)
    fixed_embedding = jnp.take(embedding, position, axis=0)  # [n, d]
    fixed_embedding = jnp.broadcast_to(fixed_embedding[None, :, :], (batch_size, length, FEATURES))  # repeat 'n d -> b n d'
    return fixed_embedding

if __name__ == "__main__":
    import jax
    _d = setup_inputs()
    print(jax.jit(kernel)(*tuple(_d.values())))

</pallas_src>

<mosaic_0001>
#map = affine_map<(d0, d1) -> (0, 0)>
#map1 = affine_map<(d0, d1) -> (0, 0, 0)>
module attributes {stable_mosaic.version = 14 : i64} {
  func.func @broadcast_rows(%arg0: i32, %arg1: i32, %arg2: memref<8192x1024xf32, #tpu.memory_space<hbm>>, %arg3: memref<4x8192x1024xf32, #tpu.memory_space<hbm>>, %arg4: memref<32x1024xf32, #tpu.memory_space<vmem>>, %arg5: memref<32x1024xf32, #tpu.memory_space<vmem>>, %arg6: memref<!tpu.dma_semaphore, #tpu.memory_space<semaphore_mem>>, %arg7: memref<!tpu.dma_semaphore, #tpu.memory_space<semaphore_mem>>, %arg8: memref<!tpu.dma_semaphore, #tpu.memory_space<semaphore_mem>>) attributes {dimension_semantics = [#tpu.dimension_semantics<core_parallel>, #tpu.dimension_semantics<subcore_parallel>], iteration_bounds = array<i64: 2, 16>, scalar_prefetch = 0 : i64, scratch_operands = 5 : i64, tpu.core_type = #tpu.core_type<sc_vector_subcore>, window_params = [{transform_indices = #map}, {transform_indices = #map1}]} {
    %mul3A = arith.constant 2 : i32
    %mul3A_0 = arith.muli %arg1, %mul3A : i32
    %add3A = arith.addi %mul3A_0, %arg0 : i32
    %mul3A_1 = arith.constant 256 : i32
    %mul3A_2 = arith.muli %add3A, %mul3A_1 : i32
    %dma_start3A = arith.constant 0 : i32
    %dma_start3A_3 = tpu.memref_slice %arg2[%mul3A_2, %dma_start3A] : memref<8192x1024xf32, #tpu.memory_space<hbm>> -> memref<32x1024xf32, #tpu.memory_space<hbm>>
    %dma_start3A_4 = arith.constant 0 : i32
    %dma_start3A_5 = tpu.memref_slice %arg2[%mul3A_2, %dma_start3A_4] : memref<8192x1024xf32, #tpu.memory_space<hbm>> -> memref<32x1024xf32, #tpu.memory_space<hbm>>
    tpu.enqueue_dma source(%dma_start3A_5 : memref<32x1024xf32, #tpu.memory_space<hbm>>) target(%arg4 : memref<32x1024xf32, #tpu.memory_space<vmem>>) target_semaphore(%arg6 : memref<!tpu.dma_semaphore, #tpu.memory_space<semaphore_mem>>)
    %dma_wait3A = arith.constant 0 : i32
    %dma_wait3A_6 = tpu.memref_slice %arg2[%mul3A_2, %dma_wait3A] : memref<8192x1024xf32, #tpu.memory_space<hbm>> -> memref<32x1024xf32, #tpu.memory_space<hbm>>
    %dma_wait3A_7 = arith.constant 0 : i32
    %dma_wait3A_8 = tpu.memref_slice %arg2[%mul3A_2, %dma_wait3A_7] : memref<8192x1024xf32, #tpu.memory_space<hbm>> -> memref<32x1024xf32, #tpu.memory_space<hbm>>
    tpu.wait_dma2 semaphore(%arg6 : memref<!tpu.dma_semaphore, #tpu.memory_space<semaphore_mem>>) src(%dma_wait3A_8 : memref<32x1024xf32, #tpu.memory_space<hbm>>) dst(%arg4 : memref<32x1024xf32, #tpu.memory_space<vmem>>)
    %add3A_9 = arith.constant 32 : i32
    %add3A_10 = arith.addi %mul3A_2, %add3A_9 : i32
    %dma_start3A_11 = arith.constant 0 : i32
    %dma_start3A_12 = tpu.memref_slice %arg2[%add3A_10, %dma_start3A_11] : memref<8192x1024xf32, #tpu.memory_space<hbm>> -> memref<32x1024xf32, #tpu.memory_space<hbm>>
    %dma_start3A_13 = arith.constant 0 : i32
    %dma_start3A_14 = tpu.memref_slice %arg2[%add3A_10, %dma_start3A_13] : memref<8192x1024xf32, #tpu.memory_space<hbm>> -> memref<32x1024xf32, #tpu.memory_space<hbm>>
    tpu.enqueue_dma source(%dma_start3A_14 : memref<32x1024xf32, #tpu.memory_space<hbm>>) target(%arg5 : memref<32x1024xf32, #tpu.memory_space<vmem>>) target_semaphore(%arg6 : memref<!tpu.dma_semaphore, #tpu.memory_space<semaphore_mem>>)
    %add3A_15 = arith.constant 0 : i32
    %add3A_16 = arith.addi %mul3A_2, %add3A_15 : i32
    %dma_start3A_17 = arith.constant 0 : i32
    %dma_start3A_18 = arith.constant 0 : i32
    %dma_start3A_19 = tpu.memref_slice %arg3[%dma_start3A_17, %add3A_16, %dma_start3A_18] : memref<4x8192x1024xf32, #tpu.memory_space<hbm>> -> memref<1x32x1024xf32, #tpu.memory_space<hbm>>
    %dma_start3A_20 = tpu.memref_squeeze %dma_start3A_19 : memref<1x32x1024xf32, #tpu.memory_space<hbm>> -> memref<32x1024xf32, #tpu.memory_space<hbm>>
    %dma_start3A_21 = arith.constant 0 : i32
    %dma_start3A_22 = tpu.memref_slice %arg3[%dma_start3A_17, %add3A_16, %dma_start3A_21] : memref<4x8192x1024xf32, #tpu.memory_space<hbm>> -> memref<1x32x1024xf32, #tpu.memory_space<hbm>>
    %dma_start3A_23 = tpu.memref_squeeze %dma_start3A_22 : memref<1x32x1024xf32, #tpu.memory_space<hbm>> -> memref<32x1024xf32, #tpu.memory_space<hbm>>
    tpu.enqueue_dma source(%arg4 : memref<32x1024xf32, #tpu.memory_space<vmem>>) target(%dma_start3A_23 : memref<32x1024xf32, #tpu.memory_space<hbm>>) target_semaphore(%arg7 : memref<!tpu.dma_semaphore, #tpu.memory_space<semaphore_mem>>)
    %dma_start3A_24 = arith.constant 1 : i32
    %dma_start3A_25 = arith.constant 0 : i32
    %dma_start3A_26 = tpu.memref_slice %arg3[%dma_start3A_24, %add3A_16, %dma_start3A_25] : memref<4x8192x1024xf32, #tpu.memory_space<hbm>> -> memref<1x32x1024xf32, #tpu.memory_space<hbm>>
    %dma_start3A_27 = tpu.memref_squeeze %dma_start3A_26 : memref<1x32x1024xf32, #tpu.memory_space<hbm>> -> memref<32x1024xf32, #tpu.memory_space<hbm>>
    %dma_start3A_28 = arith.constant 0 : i32
    %dma_start3A_29 = tpu.memref_slice %arg3[%dma_start3A_24, %add3A_16, %dma_start3A_28] : memref<4x8192x1024xf32, #tpu.memory_space<hbm>> -> memref<1x32x1024xf32, #tpu.memory_space<hbm>>
    %dma_start3A_30 = tpu.memref_squeeze %dma_start3A_29 : memref<1x32x1024xf32, #tpu.memory_space<hbm>> -> memref<32x1024xf32, #tpu.memory_space<hbm>>
    tpu.enqueue_dma source(%arg4 : memref<32x1024xf32, #tpu.memory_space<vmem>>) target(%dma_start3A_30 : memref<32x1024xf32, #tpu.memory_space<hbm>>) target_semaphore(%arg7 : memref<!tpu.dma_semaphore, #tpu.memory_space<semaphore_mem>>)
    %dma_start3A_31 = arith.constant 2 : i32
    %dma_start3A_32 = arith.constant 0 : i32
    %dma_start3A_33 = tpu.memref_slice %arg3[%dma_start3A_31, %add3A_16, %dma_start3A_32] : memref<4x8192x1024xf32, #tpu.memory_space<hbm>> -> memref<1x32x1024xf32, #tpu.memory_space<hbm>>
    %dma_start3A_34 = tpu.memref_squeeze %dma_start3A_33 : memref<1x32x1024xf32, #tpu.memory_space<hbm>> -> memref<32x1024xf32, #tpu.memory_space<hbm>>
    %dma_start3A_35 = arith.constant 0 : i32
    %dma_start3A_36 = tpu.memref_slice %arg3[%dma_start3A_31, %add3A_16, %dma_start3A_35] : memref<4x8192x1024xf32, #tpu.memory_space<hbm>> -> memref<1x32x1024xf32, #tpu.memory_space<hbm>>
    %dma_start3A_37 = tpu.memref_squeeze %dma_start3A_36 : memref<1x32x1024xf32, #tpu.memory_space<hbm>> -> memref<32x1024xf32, #tpu.memory_space<hbm>>
    tpu.enqueue_dma source(%arg4 : memref<32x1024xf32, #tpu.memory_space<vmem>>) target(%dma_start3A_37 : memref<32x1024xf32, #tpu.memory_space<hbm>>) target_semaphore(%arg7 : memref<!tpu.dma_semaphore, #tpu.memory_space<semaphore_mem>>)
    %dma_start3A_38 = arith.constant 3 : i32
    %dma_start3A_39 = arith.constant 0 : i32
    %dma_start3A_40 = tpu.memref_slice %arg3[%dma_start3A_38, %add3A_16, %dma_start3A_39] : memref<4x8192x1024xf32, #tpu.memory_space<hbm>> -> memref<1x32x1024xf32, #tpu.memory_space<hbm>>
    %dma_start3A_41 = tpu.memref_squeeze %dma_start3A_40 : memref<1x32x1024xf32, #tpu.memory_space<hbm>> -> memref<32x1024xf32, #tpu.memory_space<hbm>>
    %dma_start3A_42 = arith.constant 0 : i32
    %dma_start3A_43 = tpu.memref_slice %arg3[%dma_start3A_38, %add3A_16, %dma_start3A_42] : memref<4x8192x1024xf32, #tpu.memory_space<hbm>> -> memref<1x32x1024xf32, #tpu.memory_space<hbm>>
    %dma_start3A_44 = tpu.memref_squeeze %dma_start3A_43 : memref<1x32x1024xf32, #tpu.memory_space<hbm>> -> memref<32x1024xf32, #tpu.memory_space<hbm>>
    tpu.enqueue_dma source(%arg4 : memref<32x1024xf32, #tpu.memory_space<vmem>>) target(%dma_start3A_44 : memref<32x1024xf32, #tpu.memory_space<hbm>>) target_semaphore(%arg7 : memref<!tpu.dma_semaphore, #tpu.memory_space<semaphore_mem>>)
    %dma_wait3A_45 = arith.constant 0 : i32
    %dma_wait3A_46 = tpu.memref_slice %arg2[%add3A_10, %dma_wait3A_45] : memref<8192x1024xf32, #tpu.memory_space<hbm>> -> memref<32x1024xf32, #tpu.memory_space<hbm>>
    %dma_wait3A_47 = arith.constant 0 : i32
    %dma_wait3A_48 = tpu.memref_slice %arg2[%add3A_10, %dma_wait3A_47] : memref<8192x1024xf32, #tpu.memory_space<hbm>> -> memref<32x1024xf32, #tpu.memory_space<hbm>>
    tpu.wait_dma2 semaphore(%arg6 : memref<!tpu.dma_semaphore, #tpu.memory_space<semaphore_mem>>) src(%dma_wait3A_48 : memref<32x1024xf32, #tpu.memory_space<hbm>>) dst(%arg5 : memref<32x1024xf32, #tpu.memory_space<vmem>>)
    %dma_wait3A_49 = arith.constant 0 : i32
    %dma_wait3A_50 = arith.constant 0 : i32
    %dma_wait3A_51 = tpu.memref_slice %arg3[%dma_wait3A_49, %add3A_16, %dma_wait3A_50] : memref<4x8192x1024xf32, #tpu.memory_space<hbm>> -> memref<1x32x1024xf32, #tpu.memory_space<hbm>>
    %dma_wait3A_52 = tpu.memref_squeeze %dma_wait3A_51 : memref<1x32x1024xf32, #tpu.memory_space<hbm>> -> memref<32x1024xf32, #tpu.memory_space<hbm>>
    %dma_wait3A_53 = arith.constant 0 : i32
    %dma_wait3A_54 = tpu.memref_slice %arg3[%dma_wait3A_49, %add3A_16, %dma_wait3A_53] : memref<4x8192x1024xf32, #tpu.memory_space<hbm>> -> memref<1x32x1024xf32, #tpu.memory_space<hbm>>
    %dma_wait3A_55 = tpu.memref_squeeze %dma_wait3A_54 : memref<1x32x1024xf32, #tpu.memory_space<hbm>> -> memref<32x1024xf32, #tpu.memory_space<hbm>>
    tpu.wait_dma2 semaphore(%arg7 : memref<!tpu.dma_semaphore, #tpu.memory_space<semaphore_mem>>) src(%arg4 : memref<32x1024xf32, #tpu.memory_space<vmem>>) dst(%dma_wait3A_55 : memref<32x1024xf32, #tpu.memory_space<hbm>>)
    %dma_wait3A_56 = arith.constant 1 : i32
    %dma_wait3A_57 = arith.constant 0 : i32
    %dma_wait3A_58 = tpu.memref_slice %arg3[%dma_wait3A_56, %add3A_16, %dma_wait3A_57] : memref<4x8192x1024xf32, #tpu.memory_space<hbm>> -> memref<1x32x1024xf32, #tpu.memory_space<hbm>>
    %dma_wait3A_59 = tpu.memref_squeeze %dma_wait3A_58 : memref<1x32x1024xf32, #tpu.memory_space<hbm>> -> memref<32x1024xf32, #tpu.memory_space<hbm>>
    %dma_wait3A_60 = arith.constant 0 : i32
    %dma_wait3A_61 = tpu.memref_slice %arg3[%dma_wait3A_56, %add3A_16, %dma_wait3A_60] : memref<4x8192x1024xf32, #tpu.memory_space<hbm>> -> memref<1x32x1024xf32, #tpu.memory_space<hbm>>
    %dma_wait3A_62 = tpu.memref_squeeze %dma_wait3A_61 : memref<1x32x1024xf32, #tpu.memory_space<hbm>> -> memref<32x1024xf32, #tpu.memory_space<hbm>>
    tpu.wait_dma2 semaphore(%arg7 : memref<!tpu.dma_semaphore, #tpu.memory_space<semaphore_mem>>) src(%arg4 : memref<32x1024xf32, #tpu.memory_space<vmem>>) dst(%dma_wait3A_62 : memref<32x1024xf32, #tpu.memory_space<hbm>>)
    %dma_wait3A_63 = arith.constant 2 : i32
    %dma_wait3A_64 = arith.constant 0 : i32
    %dma_wait3A_65 = tpu.memref_slice %arg3[%dma_wait3A_63, %add3A_16, %dma_wait3A_64] : memref<4x8192x1024xf32, #tpu.memory_space<hbm>> -> memref<1x32x1024xf32, #tpu.memory_space<hbm>>
    %dma_wait3A_66 = tpu.memref_squeeze %dma_wait3A_65 : memref<1x32x1024xf32, #tpu.memory_space<hbm>> -> memref<32x1024xf32, #tpu.memory_space<hbm>>
    %dma_wait3A_67 = arith.constant 0 : i32
    %dma_wait3A_68 = tpu.memref_slice %arg3[%dma_wait3A_63, %add3A_16, %dma_wait3A_67] : memref<4x8192x1024xf32, #tpu.memory_space<hbm>> -> memref<1x32x1024xf32, #tpu.memory_space<hbm>>
    %dma_wait3A_69 = tpu.memref_squeeze %dma_wait3A_68 : memref<1x32x1024xf32, #tpu.memory_space<hbm>> -> memref<32x1024xf32, #tpu.memory_space<hbm>>
    tpu.wait_dma2 semaphore(%arg7 : memref<!tpu.dma_semaphore, #tpu.memory_space<semaphore_mem>>) src(%arg4 : memref<32x1024xf32, #tpu.memory_space<vmem>>) dst(%dma_wait3A_69 : memref<32x1024xf32, #tpu.memory_space<hbm>>)
    %dma_wait3A_70 = arith.constant 3 : i32
    %dma_wait3A_71 = arith.constant 0 : i32
    %dma_wait3A_72 = tpu.memref_slice %arg3[%dma_wait3A_70, %add3A_16, %dma_wait3A_71] : memref<4x8192x1024xf32, #tpu.memory_space<hbm>> -> memref<1x32x1024xf32, #tpu.memory_space<hbm>>
    %dma_wait3A_73 = tpu.memref_squeeze %dma_wait3A_72 : memref<1x32x1024xf32, #tpu.memory_space<hbm>> -> memref<32x1024xf32, #tpu.memory_space<hbm>>
    %dma_wait3A_74 = arith.constant 0 : i32
    %dma_wait3A_75 = tpu.memref_slice %arg3[%dma_wait3A_70, %add3A_16, %dma_wait3A_74] : memref<4x8192x1024xf32, #tpu.memory_space<hbm>> -> memref<1x32x1024xf32, #tpu.memory_space<hbm>>
    %dma_wait3A_76 = tpu.memref_squeeze %dma_wait3A_75 : memref<1x32x1024xf32, #tpu.memory_space<hbm>> -> memref<32x1024xf32, #tpu.memory_space<hbm>>
    tpu.wait_dma2 semaphore(%arg7 : memref<!tpu.dma_semaphore, #tpu.memory_space<semaphore_mem>>) src(%arg4 : memref<32x1024xf32, #tpu.memory_space<vmem>>) dst(%dma_wait3A_76 : memref<32x1024xf32, #tpu.memory_space<hbm>>)
    %add3A_77 = arith.constant 64 : i32
    %add3A_78 = arith.addi %mul3A_2, %add3A_77 : i32
    %dma_start3A_79 = arith.constant 0 : i32
    %dma_start3A_80 = tpu.memref_slice %arg2[%add3A_78, %dma_start3A_79] : memref<8192x1024xf32, #tpu.memory_space<hbm>> -> memref<32x1024xf32, #tpu.memory_space<hbm>>
    %dma_start3A_81 = arith.constant 0 : i32
    %dma_start3A_82 = tpu.memref_slice %arg2[%add3A_78, %dma_start3A_81] : memref<8192x1024xf32, #tpu.memory_space<hbm>> -> memref<32x1024xf32, #tpu.memory_space<hbm>>
    tpu.enqueue_dma source(%dma_start3A_82 : memref<32x1024xf32, #tpu.memory_space<hbm>>) target(%arg4 : memref<32x1024xf32, #tpu.memory_space<vmem>>) target_semaphore(%arg6 : memref<!tpu.dma_semaphore, #tpu.memory_space<semaphore_mem>>)
    %add3A_83 = arith.constant 32 : i32
    %add3A_84 = arith.addi %mul3A_2, %add3A_83 : i32
    %dma_start3A_85 = arith.constant 0 : i32
    %dma_start3A_86 = arith.constant 0 : i32
    %dma_start3A_87 = tpu.memref_slice %arg3[%dma_start3A_85, %add3A_84, %dma_start3A_86] : memref<4x8192x1024xf32, #tpu.memory_space<hbm>> -> memref<1x32x1024xf32, #tpu.memory_space<hbm>>
    %dma_start3A_88 = tpu.memref_squeeze %dma_start3A_87 : memref<1x32x1024xf32, #tpu.memory_space<hbm>> -> memref<32x1024xf32, #tpu.memory_space<hbm>>
    %dma_start3A_89 = arith.constant 0 : i32
    %dma_start3A_90 = tpu.memref_slice %arg3[%dma_start3A_85, %add3A_84, %dma_start3A_89] : memref<4x8192x1024xf32, #tpu.memory_space<hbm>> -> memref<1x32x1024xf32, #tpu.memory_space<hbm>>
    %dma_start3A_91 = tpu.memref_squeeze %dma_start3A_90 : memref<1x32x1024xf32, #tpu.memory_space<hbm>> -> memref<32x1024xf32, #tpu.memory_space<hbm>>
    tpu.enqueue_dma source(%arg5 : memref<32x1024xf32, #tpu.memory_space<vmem>>) target(%dma_start3A_91 : memref<32x1024xf32, #tpu.memory_space<hbm>>) target_semaphore(%arg8 : memref<!tpu.dma_semaphore, #tpu.memory_space<semaphore_mem>>)
    %dma_start3A_92 = arith.constant 1 : i32
    %dma_start3A_93 = arith.constant 0 : i32
    %dma_start3A_94 = tpu.memref_slice %arg3[%dma_start3A_92, %add3A_84, %dma_start3A_93] : memref<4x8192x1024xf32, #tpu.memory_space<hbm>> -> memref<1x32x1024xf32, #tpu.memory_space<hbm>>
    %dma_start3A_95 = tpu.memref_squeeze %dma_start3A_94 : memref<1x32x1024xf32, #tpu.memory_space<hbm>> -> memref<32x1024xf32, #tpu.memory_space<hbm>>
    %dma_start3A_96 = arith.constant 0 : i32
    %dma_start3A_97 = tpu.memref_slice %arg3[%dma_start3A_92, %add3A_84, %dma_start3A_96] : memref<4x8192x1024xf32, #tpu.memory_space<hbm>> -> memref<1x32x1024xf32, #tpu.memory_space<hbm>>
    %dma_start3A_98 = tpu.memref_squeeze %dma_start3A_97 : memref<1x32x1024xf32, #tpu.memory_space<hbm>> -> memref<32x1024xf32, #tpu.memory_space<hbm>>
    tpu.enqueue_dma source(%arg5 : memref<32x1024xf32, #tpu.memory_space<vmem>>) target(%dma_start3A_98 : memref<32x1024xf32, #tpu.memory_space<hbm>>) target_semaphore(%arg8 : memref<!tpu.dma_semaphore, #tpu.memory_space<semaphore_mem>>)
    %dma_start3A_99 = arith.constant 2 : i32
    %dma_start3A_100 = arith.constant 0 : i32
    %dma_start3A_101 = tpu.memref_slice %arg3[%dma_start3A_99, %add3A_84, %dma_start3A_100] : memref<4x8192x1024xf32, #tpu.memory_space<hbm>> -> memref<1x32x1024xf32, #tpu.memory_space<hbm>>
    %dma_start3A_102 = tpu.memref_squeeze %dma_start3A_101 : memref<1x32x1024xf32, #tpu.memory_space<hbm>> -> memref<32x1024xf32, #tpu.memory_space<hbm>>
    %dma_start3A_103 = arith.constant 0 : i32
    %dma_start3A_104 = tpu.memref_slice %arg3[%dma_start3A_99, %add3A_84, %dma_start3A_103] : memref<4x8192x1024xf32, #tpu.memory_space<hbm>> -> memref<1x32x1024xf32, #tpu.memory_space<hbm>>
    %dma_start3A_105 = tpu.memref_squeeze %dma_start3A_104 : memref<1x32x1024xf32, #tpu.memory_space<hbm>> -> memref<32x1024xf32, #tpu.memory_space<hbm>>
    tpu.enqueue_dma source(%arg5 : memref<32x1024xf32, #tpu.memory_space<vmem>>) target(%dma_start3A_105 : memref<32x1024xf32, #tpu.memory_space<hbm>>) target_semaphore(%arg8 : memref<!tpu.dma_semaphore, #tpu.memory_space<semaphore_mem>>)
    %dma_start3A_106 = arith.constant 3 : i32
    %dma_start3A_107 = arith.constant 0 : i32
    %dma_start3A_108 = tpu.memref_slice %arg3[%dma_start3A_106, %add3A_84, %dma_start3A_107] : memref<4x8192x1024xf32, #tpu.memory_space<hbm>> -> memref<1x32x1024xf32, #tpu.memory_space<hbm>>
    %dma_start3A_109 = tpu.memref_squeeze %dma_start3A_108 : memref<1x32x1024xf32, #tpu.memory_space<hbm>> -> memref<32x1024xf32, #tpu.memory_space<hbm>>
    %dma_start3A_110 = arith.constant 0 : i32
    %dma_start3A_111 = tpu.memref_slice %arg3[%dma_start3A_106, %add3A_84, %dma_start3A_110] : memref<4x8192x1024xf32, #tpu.memory_space<hbm>> -> memref<1x32x1024xf32, #tpu.memory_space<hbm>>
    %dma_start3A_112 = tpu.memref_squeeze %dma_start3A_111 : memref<1x32x1024xf32, #tpu.memory_space<hbm>> -> memref<32x1024xf32, #tpu.memory_space<hbm>>
    tpu.enqueue_dma source(%arg5 : memref<32x1024xf32, #tpu.memory_space<vmem>>) target(%dma_start3A_112 : memref<32x1024xf32, #tpu.memory_space<hbm>>) target_semaphore(%arg8 : memref<!tpu.dma_semaphore, #tpu.memory_space<semaphore_mem>>)
    %dma_wait3A_113 = arith.constant 0 : i32
    %dma_wait3A_114 = tpu.memref_slice %arg2[%add3A_78, %dma_wait3A_113] : memref<8192x1024xf32, #tpu.memory_space<hbm>> -> memref<32x1024xf32, #tpu.memory_space<hbm>>
    %dma_wait3A_115 = arith.constant 0 : i32
    %dma_wait3A_116 = tpu.memref_slice %arg2[%add3A_78, %dma_wait3A_115] : memref<8192x1024xf32, #tpu.memory_space<hbm>> -> memref<32x1024xf32, #tpu.memory_space<hbm>>
    tpu.wait_dma2 semaphore(%arg6 : memref<!tpu.dma_semaphore, #tpu.memory_space<semaphore_mem>>) src(%dma_wait3A_116 : memref<32x1024xf32, #tpu.memory_space<hbm>>) dst(%arg4 : memref<32x1024xf32, #tpu.memory_space<vmem>>)
    %dma_wait3A_117 = arith.constant 0 : i32
    %dma_wait3A_118 = arith.constant 0 : i32
    %dma_wait3A_119 = tpu.memref_slice %arg3[%dma_wait3A_117, %add3A_84, %dma_wait3A_118] : memref<4x8192x1024xf32, #tpu.memory_space<hbm>> -> memref<1x32x1024xf32, #tpu.memory_space<hbm>>
    %dma_wait3A_120 = tpu.memref_squeeze %dma_wait3A_119 : memref<1x32x1024xf32, #tpu.memory_space<hbm>> -> memref<32x1024xf32, #tpu.memory_space<hbm>>
    %dma_wait3A_121 = arith.constant 0 : i32
    %dma_wait3A_122 = tpu.memref_slice %arg3[%dma_wait3A_117, %add3A_84, %dma_wait3A_121] : memref<4x8192x1024xf32, #tpu.memory_space<hbm>> -> memref<1x32x1024xf32, #tpu.memory_space<hbm>>
    %dma_wait3A_123 = tpu.memref_squeeze %dma_wait3A_122 : memref<1x32x1024xf32, #tpu.memory_space<hbm>> -> memref<32x1024xf32, #tpu.memory_space<hbm>>
    tpu.wait_dma2 semaphore(%arg8 : memref<!tpu.dma_semaphore, #tpu.memory_space<semaphore_mem>>) src(%arg5 : memref<32x1024xf32, #tpu.memory_space<vmem>>) dst(%dma_wait3A_123 : memref<32x1024xf32, #tpu.memory_space<hbm>>)
    %dma_wait3A_124 = arith.constant 1 : i32
    %dma_wait3A_125 = arith.constant 0 : i32
    %dma_wait3A_126 = tpu.memref_slice %arg3[%dma_wait3A_124, %add3A_84, %dma_wait3A_125] : memref<4x8192x1024xf32, #tpu.memory_space<hbm>> -> memref<1x32x1024xf32, #tpu.memory_space<hbm>>
    %dma_wait3A_127 = tpu.memref_squeeze %dma_wait3A_126 : memref<1x32x1024xf32, #tpu.memory_space<hbm>> -> memref<32x1024xf32, #tpu.memory_space<hbm>>
    %dma_wait3A_128 = arith.constant 0 : i32
    %dma_wait3A_129 = tpu.memref_slice %arg3[%dma_wait3A_124, %add3A_84, %dma_wait3A_128] : memref<4x8192x1024xf32, #tpu.memory_space<hbm>> -> memref<1x32x1024xf32, #tpu.memory_space<hbm>>
    %dma_wait3A_130 = tpu.memref_squeeze %dma_wait3A_129 : memref<1x32x1024xf32, #tpu.memory_space<hbm>> -> memref<32x1024xf32, #tpu.memory_space<hbm>>
    tpu.wait_dma2 semaphore(%arg8 : memref<!tpu.dma_semaphore, #tpu.memory_space<semaphore_mem>>) src(%arg5 : memref<32x1024xf32, #tpu.memory_space<vmem>>) dst(%dma_wait3A_130 : memref<32x1024xf32, #tpu.memory_space<hbm>>)
    %dma_wait3A_131 = arith.constant 2 : i32
    %dma_wait3A_132 = arith.constant 0 : i32
    %dma_wait3A_133 = tpu.memref_slice %arg3[%dma_wait3A_131, %add3A_84, %dma_wait3A_132] : memref<4x8192x1024xf32, #tpu.memory_space<hbm>> -> memref<1x32x1024xf32, #tpu.memory_space<hbm>>
    %dma_wait3A_134 = tpu.memref_squeeze %dma_wait3A_133 : memref<1x32x1024xf32, #tpu.memory_space<hbm>> -> memref<32x1024xf32, #tpu.memory_space<hbm>>
    %dma_wait3A_135 = arith.constant 0 : i32
    %dma_wait3A_136 = tpu.memref_slice %arg3[%dma_wait3A_131, %add3A_84, %dma_wait3A_135] : memref<4x8192x1024xf32, #tpu.memory_space<hbm>> -> memref<1x32x1024xf32, #tpu.memory_space<hbm>>
    %dma_wait3A_137 = tpu.memref_squeeze %dma_wait3A_136 : memref<1x32x1024xf32, #tpu.memory_space<hbm>> -> memref<32x1024xf32, #tpu.memory_space<hbm>>
    tpu.wait_dma2 semaphore(%arg8 : memref<!tpu.dma_semaphore, #tpu.memory_space<semaphore_mem>>) src(%arg5 : memref<32x1024xf32, #tpu.memory_space<vmem>>) dst(%dma_wait3A_137 : memref<32x1024xf32, #tpu.memory_space<hbm>>)
    %dma_wait3A_138 = arith.constant 3 : i32
    %dma_wait3A_139 = arith.constant 0 : i32
    %dma_wait3A_140 = tpu.memref_slice %arg3[%dma_wait3A_138, %add3A_84, %dma_wait3A_139] : memref<4x8192x1024xf32, #tpu.memory_space<hbm>> -> memref<1x32x1024xf32, #tpu.memory_space<hbm>>
    %dma_wait3A_141 = tpu.memref_squeeze %dma_wait3A_140 : memref<1x32x1024xf32, #tpu.memory_space<hbm>> -> memref<32x1024xf32, #tpu.memory_space<hbm>>
    %dma_wait3A_142 = arith.constant 0 : i32
    %dma_wait3A_143 = tpu.memref_slice %arg3[%dma_wait3A_138, %add3A_84, %dma_wait3A_142] : memref<4x8192x1024xf32, #tpu.memory_space<hbm>> -> memref<1x32x1024xf32, #tpu.memory_space<hbm>>
    %dma_wait3A_144 = tpu.memref_squeeze %dma_wait3A_143 : memref<1x32x1024xf32, #tpu.memory_space<hbm>> -> memref<32x1024xf32, #tpu.memory_space<hbm>>
    tpu.wait_dma2 semaphore(%arg8 : memref<!tpu.dma_semaphore, #tpu.memory_space<semaphore_mem>>) src(%arg5 : memref<32x1024xf32, #tpu.memory_space<vmem>>) dst(%dma_wait3A_144 : memref<32x1024xf32, #tpu.memory_space<hbm>>)
    %add3A_145 = arith.constant 96 : i32
    %add3A_146 = arith.addi %mul3A_2, %add3A_145 : i32
    %dma_start3A_147 = arith.constant 0 : i32
    %dma_start3A_148 = tpu.memref_slice %arg2[%add3A_146, %dma_start3A_147] : memref<8192x1024xf32, #tpu.memory_space<hbm>> -> memref<32x1024xf32, #tpu.memory_space<hbm>>
    %dma_start3A_149 = arith.constant 0 : i32
    %dma_start3A_150 = tpu.memref_slice %arg2[%add3A_146, %dma_start3A_149] : memref<8192x1024xf32, #tpu.memory_space<hbm>> -> memref<32x1024xf32, #tpu.memory_space<hbm>>
    tpu.enqueue_dma source(%dma_start3A_150 : memref<32x1024xf32, #tpu.memory_space<hbm>>) target(%arg5 : memref<32x1024xf32, #tpu.memory_space<vmem>>) target_semaphore(%arg6 : memref<!tpu.dma_semaphore, #tpu.memory_space<semaphore_mem>>)
    %add3A_151 = arith.constant 64 : i32
    %add3A_152 = arith.addi %mul3A_2, %add3A_151 : i32
    %dma_start3A_153 = arith.constant 0 : i32
    %dma_start3A_154 = arith.constant 0 : i32
    %dma_start3A_155 = tpu.memref_slice %arg3[%dma_start3A_153, %add3A_152, %dma_start3A_154] : memref<4x8192x1024xf32, #tpu.memory_space<hbm>> -> memref<1x32x1024xf32, #tpu.memory_space<hbm>>
    %dma_start3A_156 = tpu.memref_squeeze %dma_start3A_155 : memref<1x32x1024xf32, #tpu.memory_space<hbm>> -> memref<32x1024xf32, #tpu.memory_space<hbm>>
    %dma_start3A_157 = arith.constant 0 : i32
    %dma_start3A_158 = tpu.memref_slice %arg3[%dma_start3A_153, %add3A_152, %dma_start3A_157] : memref<4x8192x1024xf32, #tpu.memory_space<hbm>> -> memref<1x32x1024xf32, #tpu.memory_space<hbm>>
    %dma_start3A_159 = tpu.memref_squeeze %dma_start3A_158 : memref<1x32x1024xf32, #tpu.memory_space<hbm>> -> memref<32x1024xf32, #tpu.memory_space<hbm>>
    tpu.enqueue_dma source(%arg4 : memref<32x1024xf32, #tpu.memory_space<vmem>>) target(%dma_start3A_159 : memref<32x1024xf32, #tpu.memory_space<hbm>>) target_semaphore(%arg7 : memref<!tpu.dma_semaphore, #tpu.memory_space<semaphore_mem>>)
    %dma_start3A_160 = arith.constant 1 : i32
    %dma_start3A_161 = arith.constant 0 : i32
    %dma_start3A_162 = tpu.memref_slice %arg3[%dma_start3A_160, %add3A_152, %dma_start3A_161] : memref<4x8192x1024xf32, #tpu.memory_space<hbm>> -> memref<1x32x1024xf32, #tpu.memory_space<hbm>>
    %dma_start3A_163 = tpu.memref_squeeze %dma_start3A_162 : memref<1x32x1024xf32, #tpu.memory_space<hbm>> -> memref<32x1024xf32, #tpu.memory_space<hbm>>
    %dma_start3A_164 = arith.constant 0 : i32
    %dma_start3A_165 = tpu.memref_slice %arg3[%dma_start3A_160, %add3A_152, %dma_start3A_164] : memref<4x8192x1024xf32, #tpu.memory_space<hbm>> -> memref<1x32x1024xf32, #tpu.memory_space<hbm>>
    %dma_start3A_166 = tpu.memref_squeeze %dma_start3A_165 : memref<1x32x1024xf32, #tpu.memory_space<hbm>> -> memref<32x1024xf32, #tpu.memory_space<hbm>>
    tpu.enqueue_dma source(%arg4 : memref<32x1024xf32, #tpu.memory_space<vmem>>) target(%dma_start3A_166 : memref<32x1024xf32, #tpu.memory_space<hbm>>) target_semaphore(%arg7 : memref<!tpu.dma_semaphore, #tpu.memory_space<semaphore_mem>>)
    %dma_start3A_167 = arith.constant 2 : i32
    %dma_start3A_168 = arith.constant 0 : i32
    %dma_start3A_169 = tpu.memref_slice %arg3[%dma_start3A_167, %add3A_152, %dma_start3A_168] : memref<4x8192x1024xf32, #tpu.memory_space<hbm>> -> memref<1x32x1024xf32, #tpu.memory_space<hbm>>
    %dma_start3A_170 = tpu.memref_squeeze %dma_start3A_169 : memref<1x32x1024xf32, #tpu.memory_space<hbm>> -> memref<32x1024xf32, #tpu.memory_space<hbm>>
    %dma_start3A_171 = arith.constant 0 : i32
    %dma_start3A_172 = tpu.memref_slice %arg3[%dma_start3A_167, %add3A_152, %dma_start3A_171] : memref<4x8192x1024xf32, #tpu.memory_space<hbm>> -> memref<1x32x1024xf32, #tpu.memory_space<hbm>>
    %dma_start3A_173 = tpu.memref_squeeze %dma_start3A_172 : memref<1x32x1024xf32, #tpu.memory_space<hbm>> -> memref<32x1024xf32, #tpu.memory_space<hbm>>
    tpu.enqueue_dma source(%arg4 : memref<32x1024xf32, #tpu.memory_space<vmem>>) target(%dma_start3A_173 : memref<32x1024xf32, #tpu.memory_space<hbm>>) target_semaphore(%arg7 : memref<!tpu.dma_semaphore, #tpu.memory_space<semaphore_mem>>)
    %dma_start3A_174 = arith.constant 3 : i32
    %dma_start3A_175 = arith.constant 0 : i32
    %dma_start3A_176 = tpu.memref_slice %arg3[%dma_start3A_174, %add3A_152, %dma_start3A_175] : memref<4x8192x1024xf32, #tpu.memory_space<hbm>> -> memref<1x32x1024xf32, #tpu.memory_space<hbm>>
    %dma_start3A_177 = tpu.memref_squeeze %dma_start3A_176 : memref<1x32x1024xf32, #tpu.memory_space<hbm>> -> memref<32x1024xf32, #tpu.memory_space<hbm>>
    %dma_start3A_178 = arith.constant 0 : i32
    %dma_start3A_179 = tpu.memref_slice %arg3[%dma_start3A_174, %add3A_152, %dma_start3A_178] : memref<4x8192x1024xf32, #tpu.memory_space<hbm>> -> memref<1x32x1024xf32, #tpu.memory_space<hbm>>
    %dma_start3A_180 = tpu.memref_squeeze %dma_start3A_179 : memref<1x32x1024xf32, #tpu.memory_space<hbm>> -> memref<32x1024xf32, #tpu.memory_space<hbm>>
    tpu.enqueue_dma source(%arg4 : memref<32x1024xf32, #tpu.memory_space<vmem>>) target(%dma_start3A_180 : memref<32x1024xf32, #tpu.memory_space<hbm>>) target_semaphore(%arg7 : memref<!tpu.dma_semaphore, #tpu.memory_space<semaphore_mem>>)
    %dma_wait3A_181 = arith.constant 0 : i32
    %dma_wait3A_182 = tpu.memref_slice %arg2[%add3A_146, %dma_wait3A_181] : memref<8192x1024xf32, #tpu.memory_space<hbm>> -> memref<32x1024xf32, #tpu.memory_space<hbm>>
    %dma_wait3A_183 = arith.constant 0 : i32
    %dma_wait3A_184 = tpu.memref_slice %arg2[%add3A_146, %dma_wait3A_183] : memref<8192x1024xf32, #tpu.memory_space<hbm>> -> memref<32x1024xf32, #tpu.memory_space<hbm>>
    tpu.wait_dma2 semaphore(%arg6 : memref<!tpu.dma_semaphore, #tpu.memory_space<semaphore_mem>>) src(%dma_wait3A_184 : memref<32x1024xf32, #tpu.memory_space<hbm>>) dst(%arg5 : memref<32x1024xf32, #tpu.memory_space<vmem>>)
    %dma_wait3A_185 = arith.constant 0 : i32
    %dma_wait3A_186 = arith.constant 0 : i32
    %dma_wait3A_187 = tpu.memref_slice %arg3[%dma_wait3A_185, %add3A_152, %dma_wait3A_186] : memref<4x8192x1024xf32, #tpu.memory_space<hbm>> -> memref<1x32x1024xf32, #tpu.memory_space<hbm>>
    %dma_wait3A_188 = tpu.memref_squeeze %dma_wait3A_187 : memref<1x32x1024xf32, #tpu.memory_space<hbm>> -> memref<32x1024xf32, #tpu.memory_space<hbm>>
    %dma_wait3A_189 = arith.constant 0 : i32
    %dma_wait3A_190 = tpu.memref_slice %arg3[%dma_wait3A_185, %add3A_152, %dma_wait3A_189] : memref<4x8192x1024xf32, #tpu.memory_space<hbm>> -> memref<1x32x1024xf32, #tpu.memory_space<hbm>>
    %dma_wait3A_191 = tpu.memref_squeeze %dma_wait3A_190 : memref<1x32x1024xf32, #tpu.memory_space<hbm>> -> memref<32x1024xf32, #tpu.memory_space<hbm>>
    tpu.wait_dma2 semaphore(%arg7 : memref<!tpu.dma_semaphore, #tpu.memory_space<semaphore_mem>>) src(%arg4 : memref<32x1024xf32, #tpu.memory_space<vmem>>) dst(%dma_wait3A_191 : memref<32x1024xf32, #tpu.memory_space<hbm>>)
    %dma_wait3A_192 = arith.constant 1 : i32
    %dma_wait3A_193 = arith.constant 0 : i32
    %dma_wait3A_194 = tpu.memref_slice %arg3[%dma_wait3A_192, %add3A_152, %dma_wait3A_193] : memref<4x8192x1024xf32, #tpu.memory_space<hbm>> -> memref<1x32x1024xf32, #tpu.memory_space<hbm>>
    %dma_wait3A_195 = tpu.memref_squeeze %dma_wait3A_194 : memref<1x32x1024xf32, #tpu.memory_space<hbm>> -> memref<32x1024xf32, #tpu.memory_space<hbm>>
    %dma_wait3A_196 = arith.constant 0 : i32
    %dma_wait3A_197 = tpu.memref_slice %arg3[%dma_wait3A_192, %add3A_152, %dma_wait3A_196] : memref<4x8192x1024xf32, #tpu.memory_space<hbm>> -> memref<1x32x1024xf32, #tpu.memory_space<hbm>>
    %dma_wait3A_198 = tpu.memref_squeeze %dma_wait3A_197 : memref<1x32x1024xf32, #tpu.memory_space<hbm>> -> memref<32x1024xf32, #tpu.memory_space<hbm>>
    tpu.wait_dma2 semaphore(%arg7 : memref<!tpu.dma_semaphore, #tpu.memory_space<semaphore_mem>>) src(%arg4 : memref<32x1024xf32, #tpu.memory_space<vmem>>) dst(%dma_wait3A_198 : memref<32x1024xf32, #tpu.memory_space<hbm>>)
    %dma_wait3A_199 = arith.constant 2 : i32
    %dma_wait3A_200 = arith.constant 0 : i32
    %dma_wait3A_201 = tpu.memref_slice %arg3[%dma_wait3A_199, %add3A_152, %dma_wait3A_200] : memref<4x8192x1024xf32, #tpu.memory_space<hbm>> -> memref<1x32x1024xf32, #tpu.memory_space<hbm>>
    %dma_wait3A_202 = tpu.memref_squeeze %dma_wait3A_201 : memref<1x32x1024xf32, #tpu.memory_space<hbm>> -> memref<32x1024xf32, #tpu.memory_space<hbm>>
    %dma_wait3A_203 = arith.constant 0 : i32
    %dma_wait3A_204 = tpu.memref_slice %arg3[%dma_wait3A_199, %add3A_152, %dma_wait3A_203] : memref<4x8192x1024xf32, #tpu.memory_space<hbm>> -> memref<1x32x1024xf32, #tpu.memory_space<hbm>>
    %dma_wait3A_205 = tpu.memref_squeeze %dma_wait3A_204 : memref<1x32x1024xf32, #tpu.memory_space<hbm>> -> memref<32x1024xf32, #tpu.memory_space<hbm>>
    tpu.wait_dma2 semaphore(%arg7 : memref<!tpu.dma_semaphore, #tpu.memory_space<semaphore_mem>>) src(%arg4 : memref<32x1024xf32, #tpu.memory_space<vmem>>) dst(%dma_wait3A_205 : memref<32x1024xf32, #tpu.memory_space<hbm>>)
    %dma_wait3A_206 = arith.constant 3 : i32
    %dma_wait3A_207 = arith.constant 0 : i32
    %dma_wait3A_208 = tpu.memref_slice %arg3[%dma_wait3A_206, %add3A_152, %dma_wait3A_207] : memref<4x8192x1024xf32, #tpu.memory_space<hbm>> -> memref<1x32x1024xf32, #tpu.memory_space<hbm>>
    %dma_wait3A_209 = tpu.memref_squeeze %dma_wait3A_208 : memref<1x32x1024xf32, #tpu.memory_space<hbm>> -> memref<32x1024xf32, #tpu.memory_space<hbm>>
    %dma_wait3A_210 = arith.constant 0 : i32
    %dma_wait3A_211 = tpu.memref_slice %arg3[%dma_wait3A_206, %add3A_152, %dma_wait3A_210] : memref<4x8192x1024xf32, #tpu.memory_space<hbm>> -> memref<1x32x1024xf32, #tpu.memory_space<hbm>>
    %dma_wait3A_212 = tpu.memref_squeeze %dma_wait3A_211 : memref<1x32x1024xf32, #tpu.memory_space<hbm>> -> memref<32x1024xf32, #tpu.memory_space<hbm>>
    tpu.wait_dma2 semaphore(%arg7 : memref<!tpu.dma_semaphore, #tpu.memory_space<semaphore_mem>>) src(%arg4 : memref<32x1024xf32, #tpu.memory_space<vmem>>) dst(%dma_wait3A_212 : memref<32x1024xf32, #tpu.memory_space<hbm>>)
    %add3A_213 = arith.constant 128 : i32
    %add3A_214 = arith.addi %mul3A_2, %add3A_213 : i32
    %dma_start3A_215 = arith.constant 0 : i32
    %dma_start3A_216 = tpu.memref_slice %arg2[%add3A_214, %dma_start3A_215] : memref<8192x1024xf32, #tpu.memory_space<hbm>> -> memref<32x1024xf32, #tpu.memory_space<hbm>>
    %dma_start3A_217 = arith.constant 0 : i32
    %dma_start3A_218 = tpu.memref_slice %arg2[%add3A_214, %dma_start3A_217] : memref<8192x1024xf32, #tpu.memory_space<hbm>> -> memref<32x1024xf32, #tpu.memory_space<hbm>>
    tpu.enqueue_dma source(%dma_start3A_218 : memref<32x1024xf32, #tpu.memory_space<hbm>>) target(%arg4 : memref<32x1024xf32, #tpu.memory_space<vmem>>) target_semaphore(%arg6 : memref<!tpu.dma_semaphore, #tpu.memory_space<semaphore_mem>>)
    %add3A_219 = arith.constant 96 : i32
    %add3A_220 = arith.addi %mul3A_2, %add3A_219 : i32
    %dma_start3A_221 = arith.constant 0 : i32
    %dma_start3A_222 = arith.constant 0 : i32
    %dma_start3A_223 = tpu.memref_slice %arg3[%dma_start3A_221, %add3A_220, %dma_start3A_222] : memref<4x8192x1024xf32, #tpu.memory_space<hbm>> -> memref<1x32x1024xf32, #tpu.memory_space<hbm>>
    %dma_start3A_224 = tpu.memref_squeeze %dma_start3A_223 : memref<1x32x1024xf32, #tpu.memory_space<hbm>> -> memref<32x1024xf32, #tpu.memory_space<hbm>>
    %dma_start3A_225 = arith.constant 0 : i32
    %dma_start3A_226 = tpu.memref_slice %arg3[%dma_start3A_221, %add3A_220, %dma_start3A_225] : memref<4x8192x1024xf32, #tpu.memory_space<hbm>> -> memref<1x32x1024xf32, #tpu.memory_space<hbm>>
    %dma_start3A_227 = tpu.memref_squeeze %dma_start3A_226 : memref<1x32x1024xf32, #tpu.memory_space<hbm>> -> memref<32x1024xf32, #tpu.memory_space<hbm>>
    tpu.enqueue_dma source(%arg5 : memref<32x1024xf32, #tpu.memory_space<vmem>>) target(%dma_start3A_227 : memref<32x1024xf32, #tpu.memory_space<hbm>>) target_semaphore(%arg8 : memref<!tpu.dma_semaphore, #tpu.memory_space<semaphore_mem>>)
    %dma_start3A_228 = arith.constant 1 : i32
    %dma_start3A_229 = arith.constant 0 : i32
    %dma_start3A_230 = tpu.memref_slice %arg3[%dma_start3A_228, %add3A_220, %dma_start3A_229] : memref<4x8192x1024xf32, #tpu.memory_space<hbm>> -> memref<1x32x1024xf32, #tpu.memory_space<hbm>>
    %dma_start3A_231 = tpu.memref_squeeze %dma_start3A_230 : memref<1x32x1024xf32, #tpu.memory_space<hbm>> -> memref<32x1024xf32, #tpu.memory_space<hbm>>
    %dma_start3A_232 = arith.constant 0 : i32
    %dma_start3A_233 = tpu.memref_slice %arg3[%dma_start3A_228, %add3A_220, %dma_start3A_232] : memref<4x8192x1024xf32, #tpu.memory_space<hbm>> -> memref<1x32x1024xf32, #tpu.memory_space<hbm>>
    %dma_start3A_234 = tpu.memref_squeeze %dma_start3A_233 : memref<1x32x1024xf32, #tpu.memory_space<hbm>> -> memref<32x1024xf32, #tpu.memory_space<hbm>>
    tpu.enqueue_dma source(%arg5 : memref<32x1024xf32, #tpu.memory_space<vmem>>) target(%dma_start3A_234 : memref<32x1024xf32, #tpu.memory_space<hbm>>) target_semaphore(%arg8 : memref<!tpu.dma_semaphore, #tpu.memory_space<semaphore_mem>>)
    %dma_start3A_235 = arith.constant 2 : i32
    %dma_start3A_236 = arith.constant 0 : i32
    %dma_start3A_237 = tpu.memref_slice %arg3[%dma_start3A_235, %add3A_220, %dma_start3A_236] : memref<4x8192x1024xf32, #tpu.memory_space<hbm>> -> memref<1x32x1024xf32, #tpu.memory_space<hbm>>
    %dma_start3A_238 = tpu.memref_squeeze %dma_start3A_237 : memref<1x32x1024xf32, #tpu.memory_space<hbm>> -> memref<32x1024xf32, #tpu.memory_space<hbm>>
    %dma_start3A_239 = arith.constant 0 : i32
    %dma_start3A_240 = tpu.memref_slice %arg3[%dma_start3A_235, %add3A_220, %dma_start3A_239] : memref<4x8192x1024xf32, #tpu.memory_space<hbm>> -> memref<1x32x1024xf32, #tpu.memory_space<hbm>>
    %dma_start3A_241 = tpu.memref_squeeze %dma_start3A_240 : memref<1x32x1024xf32, #tpu.memory_space<hbm>> -> memref<32x1024xf32, #tpu.memory_space<hbm>>
    tpu.enqueue_dma source(%arg5 : memref<32x1024xf32, #tpu.memory_space<vmem>>) target(%dma_start3A_241 : memref<32x1024xf32, #tpu.memory_space<hbm>>) target_semaphore(%arg8 : memref<!tpu.dma_semaphore, #tpu.memory_space<semaphore_mem>>)
    %dma_start3A_242 = arith.constant 3 : i32
    %dma_start3A_243 = arith.constant 0 : i32
    %dma_start3A_244 = tpu.memref_slice %arg3[%dma_start3A_242, %add3A_220, %dma_start3A_243] : memref<4x8192x1024xf32, #tpu.memory_space<hbm>> -> memref<1x32x1024xf32, #tpu.memory_space<hbm>>
    %dma_start3A_245 = tpu.memref_squeeze %dma_start3A_244 : memref<1x32x1024xf32, #tpu.memory_space<hbm>> -> memref<32x1024xf32, #tpu.memory_space<hbm>>
    %dma_start3A_246 = arith.constant 0 : i32
    %dma_start3A_247 = tpu.memref_slice %arg3[%dma_start3A_242, %add3A_220, %dma_start3A_246] : memref<4x8192x1024xf32, #tpu.memory_space<hbm>> -> memref<1x32x1024xf32, #tpu.memory_space<hbm>>
    %dma_start3A_248 = tpu.memref_squeeze %dma_start3A_247 : memref<1x32x1024xf32, #tpu.memory_space<hbm>> -> memref<32x1024xf32, #tpu.memory_space<hbm>>
    tpu.enqueue_dma source(%arg5 : memref<32x1024xf32, #tpu.memory_space<vmem>>) target(%dma_start3A_248 : memref<32x1024xf32, #tpu.memory_space<hbm>>) target_semaphore(%arg8 : memref<!tpu.dma_semaphore, #tpu.memory_space<semaphore_mem>>)
    %dma_wait3A_249 = arith.constant 0 : i32
    %dma_wait3A_250 = tpu.memref_slice %arg2[%add3A_214, %dma_wait3A_249] : memref<8192x1024xf32, #tpu.memory_space<hbm>> -> memref<32x1024xf32, #tpu.memory_space<hbm>>
    %dma_wait3A_251 = arith.constant 0 : i32
    %dma_wait3A_252 = tpu.memref_slice %arg2[%add3A_214, %dma_wait3A_251] : memref<8192x1024xf32, #tpu.memory_space<hbm>> -> memref<32x1024xf32, #tpu.memory_space<hbm>>
    tpu.wait_dma2 semaphore(%arg6 : memref<!tpu.dma_semaphore, #tpu.memory_space<semaphore_mem>>) src(%dma_wait3A_252 : memref<32x1024xf32, #tpu.memory_space<hbm>>) dst(%arg4 : memref<32x1024xf32, #tpu.memory_space<vmem>>)
    %dma_wait3A_253 = arith.constant 0 : i32
    %dma_wait3A_254 = arith.constant 0 : i32
    %dma_wait3A_255 = tpu.memref_slice %arg3[%dma_wait3A_253, %add3A_220, %dma_wait3A_254] : memref<4x8192x1024xf32, #tpu.memory_space<hbm>> -> memref<1x32x1024xf32, #tpu.memory_space<hbm>>
    %dma_wait3A_256 = tpu.memref_squeeze %dma_wait3A_255 : memref<1x32x1024xf32, #tpu.memory_space<hbm>> -> memref<32x1024xf32, #tpu.memory_space<hbm>>
    %dma_wait3A_257 = arith.constant 0 : i32
    %dma_wait3A_258 = tpu.memref_slice %arg3[%dma_wait3A_253, %add3A_220, %dma_wait3A_257] : memref<4x8192x1024xf32, #tpu.memory_space<hbm>> -> memref<1x32x1024xf32, #tpu.memory_space<hbm>>
    %dma_wait3A_259 = tpu.memref_squeeze %dma_wait3A_258 : memref<1x32x1024xf32, #tpu.memory_space<hbm>> -> memref<32x1024xf32, #tpu.memory_space<hbm>>
    tpu.wait_dma2 semaphore(%arg8 : memref<!tpu.dma_semaphore, #tpu.memory_space<semaphore_mem>>) src(%arg5 : memref<32x1024xf32, #tpu.memory_space<vmem>>) dst(%dma_wait3A_259 : memref<32x1024xf32, #tpu.memory_space<hbm>>)
    %dma_wait3A_260 = arith.constant 1 : i32
    %dma_wait3A_261 = arith.constant 0 : i32
    %dma_wait3A_262 = tpu.memref_slice %arg3[%dma_wait3A_260, %add3A_220, %dma_wait3A_261] : memref<4x8192x1024xf32, #tpu.memory_space<hbm>> -> memref<1x32x1024xf32, #tpu.memory_space<hbm>>
    %dma_wait3A_263 = tpu.memref_squeeze %dma_wait3A_262 : memref<1x32x1024xf32, #tpu.memory_space<hbm>> -> memref<32x1024xf32, #tpu.memory_space<hbm>>
    %dma_wait3A_264 = arith.constant 0 : i32
    %dma_wait3A_265 = tpu.memref_slice %arg3[%dma_wait3A_260, %add3A_220, %dma_wait3A_264] : memref<4x8192x1024xf32, #tpu.memory_space<hbm>> -> memref<1x32x1024xf32, #tpu.memory_space<hbm>>
    %dma_wait3A_266 = tpu.memref_squeeze %dma_wait3A_265 : memref<1x32x1024xf32, #tpu.memory_space<hbm>> -> memref<32x1024xf32, #tpu.memory_space<hbm>>
    tpu.wait_dma2 semaphore(%arg8 : memref<!tpu.dma_semaphore, #tpu.memory_space<semaphore_mem>>) src(%arg5 : memref<32x1024xf32, #tpu.memory_space<vmem>>) dst(%dma_wait3A_266 : memref<32x1024xf32, #tpu.memory_space<hbm>>)
    %dma_wait3A_267 = arith.constant 2 : i32
    %dma_wait3A_268 = arith.constant 0 : i32
    %dma_wait3A_269 = tpu.memref_slice %arg3[%dma_wait3A_267, %add3A_220, %dma_wait3A_268] : memref<4x8192x1024xf32, #tpu.memory_space<hbm>> -> memref<1x32x1024xf32, #tpu.memory_space<hbm>>
    %dma_wait3A_270 = tpu.memref_squeeze %dma_wait3A_269 : memref<1x32x1024xf32, #tpu.memory_space<hbm>> -> memref<32x1024xf32, #tpu.memory_space<hbm>>
    %dma_wait3A_271 = arith.constant 0 : i32
    %dma_wait3A_272 = tpu.memref_slice %arg3[%dma_wait3A_267, %add3A_220, %dma_wait3A_271] : memref<4x8192x1024xf32, #tpu.memory_space<hbm>> -> memref<1x32x1024xf32, #tpu.memory_space<hbm>>
    %dma_wait3A_273 = tpu.memref_squeeze %dma_wait3A_272 : memref<1x32x1024xf32, #tpu.memory_space<hbm>> -> memref<32x1024xf32, #tpu.memory_space<hbm>>
    tpu.wait_dma2 semaphore(%arg8 : memref<!tpu.dma_semaphore, #tpu.memory_space<semaphore_mem>>) src(%arg5 : memref<32x1024xf32, #tpu.memory_space<vmem>>) dst(%dma_wait3A_273 : memref<32x1024xf32, #tpu.memory_space<hbm>>)
    %dma_wait3A_274 = arith.constant 3 : i32
    %dma_wait3A_275 = arith.constant 0 : i32
    %dma_wait3A_276 = tpu.memref_slice %arg3[%dma_wait3A_274, %add3A_220, %dma_wait3A_275] : memref<4x8192x1024xf32, #tpu.memory_space<hbm>> -> memref<1x32x1024xf32, #tpu.memory_space<hbm>>
    %dma_wait3A_277 = tpu.memref_squeeze %dma_wait3A_276 : memref<1x32x1024xf32, #tpu.memory_space<hbm>> -> memref<32x1024xf32, #tpu.memory_space<hbm>>
    %dma_wait3A_278 = arith.constant 0 : i32
    %dma_wait3A_279 = tpu.memref_slice %arg3[%dma_wait3A_274, %add3A_220, %dma_wait3A_278] : memref<4x8192x1024xf32, #tpu.memory_space<hbm>> -> memref<1x32x1024xf32, #tpu.memory_space<hbm>>
    %dma_wait3A_280 = tpu.memref_squeeze %dma_wait3A_279 : memref<1x32x1024xf32, #tpu.memory_space<hbm>> -> memref<32x1024xf32, #tpu.memory_space<hbm>>
    tpu.wait_dma2 semaphore(%arg8 : memref<!tpu.dma_semaphore, #tpu.memory_space<semaphore_mem>>) src(%arg5 : memref<32x1024xf32, #tpu.memory_space<vmem>>) dst(%dma_wait3A_280 : memref<32x1024xf32, #tpu.memory_space<hbm>>)
    %add3A_281 = arith.constant 160 : i32
    %add3A_282 = arith.addi %mul3A_2, %add3A_281 : i32
    %dma_start3A_283 = arith.constant 0 : i32
    %dma_start3A_284 = tpu.memref_slice %arg2[%add3A_282, %dma_start3A_283] : memref<8192x1024xf32, #tpu.memory_space<hbm>> -> memref<32x1024xf32, #tpu.memory_space<hbm>>
    %dma_start3A_285 = arith.constant 0 : i32
    %dma_start3A_286 = tpu.memref_slice %arg2[%add3A_282, %dma_start3A_285] : memref<8192x1024xf32, #tpu.memory_space<hbm>> -> memref<32x1024xf32, #tpu.memory_space<hbm>>
    tpu.enqueue_dma source(%dma_start3A_286 : memref<32x1024xf32, #tpu.memory_space<hbm>>) target(%arg5 : memref<32x1024xf32, #tpu.memory_space<vmem>>) target_semaphore(%arg6 : memref<!tpu.dma_semaphore, #tpu.memory_space<semaphore_mem>>)
    %add3A_287 = arith.constant 128 : i32
    %add3A_288 = arith.addi %mul3A_2, %add3A_287 : i32
    %dma_start3A_289 = arith.constant 0 : i32
    %dma_start3A_290 = arith.constant 0 : i32
    %dma_start3A_291 = tpu.memref_slice %arg3[%dma_start3A_289, %add3A_288, %dma_start3A_290] : memref<4x8192x1024xf32, #tpu.memory_space<hbm>> -> memref<1x32x1024xf32, #tpu.memory_space<hbm>>
    %dma_start3A_292 = tpu.memref_squeeze %dma_start3A_291 : memref<1x32x1024xf32, #tpu.memory_space<hbm>> -> memref<32x1024xf32, #tpu.memory_space<hbm>>
    %dma_start3A_293 = arith.constant 0 : i32
    %dma_start3A_294 = tpu.memref_slice %arg3[%dma_start3A_289, %add3A_288, %dma_start3A_293] : memref<4x8192x1024xf32, #tpu.memory_space<hbm>> -> memref<1x32x1024xf32, #tpu.memory_space<hbm>>
    %dma_start3A_295 = tpu.memref_squeeze %dma_start3A_294 : memref<1x32x1024xf32, #tpu.memory_space<hbm>> -> memref<32x1024xf32, #tpu.memory_space<hbm>>
    tpu.enqueue_dma source(%arg4 : memref<32x1024xf32, #tpu.memory_space<vmem>>) target(%dma_start3A_295 : memref<32x1024xf32, #tpu.memory_space<hbm>>) target_semaphore(%arg7 : memref<!tpu.dma_semaphore, #tpu.memory_space<semaphore_mem>>)
    %dma_start3A_296 = arith.constant 1 : i32
    %dma_start3A_297 = arith.constant 0 : i32
    %dma_start3A_298 = tpu.memref_slice %arg3[%dma_start3A_296, %add3A_288, %dma_start3A_297] : memref<4x8192x1024xf32, #tpu.memory_space<hbm>> -> memref<1x32x1024xf32, #tpu.memory_space<hbm>>
    %dma_start3A_299 = tpu.memref_squeeze %dma_start3A_298 : memref<1x32x1024xf32, #tpu.memory_space<hbm>> -> memref<32x1024xf32, #tpu.memory_space<hbm>>
    %dma_start3A_300 = arith.constant 0 : i32
    %dma_start3A_301 = tpu.memref_slice %arg3[%dma_start3A_296, %add3A_288, %dma_start3A_300] : memref<4x8192x1024xf32, #tpu.memory_space<hbm>> -> memref<1x32x1024xf32, #tpu.memory_space<hbm>>
    %dma_start3A_302 = tpu.memref_squeeze %dma_start3A_301 : memref<1x32x1024xf32, #tpu.memory_space<hbm>> -> memref<32x1024xf32, #tpu.memory_space<hbm>>
    tpu.enqueue_dma source(%arg4 : memref<32x1024xf32, #tpu.memory_space<vmem>>) target(%dma_start3A_302 : memref<32x1024xf32, #tpu.memory_space<hbm>>) target_semaphore(%arg7 : memref<!tpu.dma_semaphore, #tpu.memory_space<semaphore_mem>>)
    %dma_start3A_303 = arith.constant 2 : i32
    %dma_start3A_304 = arith.constant 0 : i32
    %dma_start3A_305 = tpu.memref_slice %arg3[%dma_start3A_303, %add3A_288, %dma_start3A_304] : memref<4x8192x1024xf32, #tpu.memory_space<hbm>> -> memref<1x32x1024xf32, #tpu.memory_space<hbm>>
    %dma_start3A_306 = tpu.memref_squeeze %dma_start3A_305 : memref<1x32x1024xf32, #tpu.memory_space<hbm>> -> memref<32x1024xf32, #tpu.memory_space<hbm>>
    %dma_start3A_307 = arith.constant 0 : i32
    %dma_start3A_308 = tpu.memref_slice %arg3[%dma_start3A_303, %add3A_288, %dma_start3A_307] : memref<4x8192x1024xf32, #tpu.memory_space<hbm>> -> memref<1x32x1024xf32, #tpu.memory_space<hbm>>
    %dma_start3A_309 = tpu.memref_squeeze %dma_start3A_308 : memref<1x32x1024xf32, #tpu.memory_space<hbm>> -> memref<32x1024xf32, #tpu.memory_space<hbm>>
    tpu.enqueue_dma source(%arg4 : memref<32x1024xf32, #tpu.memory_space<vmem>>) target(%dma_start3A_309 : memref<32x1024xf32, #tpu.memory_space<hbm>>) target_semaphore(%arg7 : memref<!tpu.dma_semaphore, #tpu.memory_space<semaphore_mem>>)
    %dma_start3A_310 = arith.constant 3 : i32
    %dma_start3A_311 = arith.constant 0 : i32
    %dma_start3A_312 = tpu.memref_slice %arg3[%dma_start3A_310, %add3A_288, %dma_start3A_311] : memref<4x8192x1024xf32, #tpu.memory_space<hbm>> -> memref<1x32x1024xf32, #tpu.memory_space<hbm>>
    %dma_start3A_313 = tpu.memref_squeeze %dma_start3A_312 : memref<1x32x1024xf32, #tpu.memory_space<hbm>> -> memref<32x1024xf32, #tpu.memory_space<hbm>>
    %dma_start3A_314 = arith.constant 0 : i32
    %dma_start3A_315 = tpu.memref_slice %arg3[%dma_start3A_310, %add3A_288, %dma_start3A_314] : memref<4x8192x1024xf32, #tpu.memory_space<hbm>> -> memref<1x32x1024xf32, #tpu.memory_space<hbm>>
    %dma_start3A_316 = tpu.memref_squeeze %dma_start3A_315 : memref<1x32x1024xf32, #tpu.memory_space<hbm>> -> memref<32x1024xf32, #tpu.memory_space<hbm>>
    tpu.enqueue_dma source(%arg4 : memref<32x1024xf32, #tpu.memory_space<vmem>>) target(%dma_start3A_316 : memref<32x1024xf32, #tpu.memory_space<hbm>>) target_semaphore(%arg7 : memref<!tpu.dma_semaphore, #tpu.memory_space<semaphore_mem>>)
    %dma_wait3A_317 = arith.constant 0 : i32
    %dma_wait3A_318 = tpu.memref_slice %arg2[%add3A_282, %dma_wait3A_317] : memref<8192x1024xf32, #tpu.memory_space<hbm>> -> memref<32x1024xf32, #tpu.memory_space<hbm>>
    %dma_wait3A_319 = arith.constant 0 : i32
    %dma_wait3A_320 = tpu.memref_slice %arg2[%add3A_282, %dma_wait3A_319] : memref<8192x1024xf32, #tpu.memory_space<hbm>> -> memref<32x1024xf32, #tpu.memory_space<hbm>>
    tpu.wait_dma2 semaphore(%arg6 : memref<!tpu.dma_semaphore, #tpu.memory_space<semaphore_mem>>) src(%dma_wait3A_320 : memref<32x1024xf32, #tpu.memory_space<hbm>>) dst(%arg5 : memref<32x1024xf32, #tpu.memory_space<vmem>>)
    %dma_wait3A_321 = arith.constant 0 : i32
    %dma_wait3A_322 = arith.constant 0 : i32
    %dma_wait3A_323 = tpu.memref_slice %arg3[%dma_wait3A_321, %add3A_288, %dma_wait3A_322] : memref<4x8192x1024xf32, #tpu.memory_space<hbm>> -> memref<1x32x1024xf32, #tpu.memory_space<hbm>>
    %dma_wait3A_324 = tpu.memref_squeeze %dma_wait3A_323 : memref<1x32x1024xf32, #tpu.memory_space<hbm>> -> memref<32x1024xf32, #tpu.memory_space<hbm>>
    %dma_wait3A_325 = arith.constant 0 : i32
    %dma_wait3A_326 = tpu.memref_slice %arg3[%dma_wait3A_321, %add3A_288, %dma_wait3A_325] : memref<4x8192x1024xf32, #tpu.memory_space<hbm>> -> memref<1x32x1024xf32, #tpu.memory_space<hbm>>
    %dma_wait3A_327 = tpu.memref_squeeze %dma_wait3A_326 : memref<1x32x1024xf32, #tpu.memory_space<hbm>> -> memref<32x1024xf32, #tpu.memory_space<hbm>>
    tpu.wait_dma2 semaphore(%arg7 : memref<!tpu.dma_semaphore, #tpu.memory_space<semaphore_mem>>) src(%arg4 : memref<32x1024xf32, #tpu.memory_space<vmem>>) dst(%dma_wait3A_327 : memref<32x1024xf32, #tpu.memory_space<hbm>>)
    %dma_wait3A_328 = arith.constant 1 : i32
    %dma_wait3A_329 = arith.constant 0 : i32
    %dma_wait3A_330 = tpu.memref_slice %arg3[%dma_wait3A_328, %add3A_288, %dma_wait3A_329] : memref<4x8192x1024xf32, #tpu.memory_space<hbm>> -> memref<1x32x1024xf32, #tpu.memory_space<hbm>>
    %dma_wait3A_331 = tpu.memref_squeeze %dma_wait3A_330 : memref<1x32x1024xf32, #tpu.memory_space<hbm>> -> memref<32x1024xf32, #tpu.memory_space<hbm>>
    %dma_wait3A_332 = arith.constant 0 : i32
    %dma_wait3A_333 = tpu.memref_slice %arg3[%dma_wait3A_328, %add3A_288, %dma_wait3A_332] : memref<4x8192x1024xf32, #tpu.memory_space<hbm>> -> memref<1x32x1024xf32, #tpu.memory_space<hbm>>
    %dma_wait3A_334 = tpu.memref_squeeze %dma_wait3A_333 : memref<1x32x1024xf32, #tpu.memory_space<hbm>> -> memref<32x1024xf32, #tpu.memory_space<hbm>>
    tpu.wait_dma2 semaphore(%arg7 : memref<!tpu.dma_semaphore, #tpu.memory_space<semaphore_mem>>) src(%arg4 : memref<32x1024xf32, #tpu.memory_space<vmem>>) dst(%dma_wait3A_334 : memref<32x1024xf32, #tpu.memory_space<hbm>>)
    %dma_wait3A_335 = arith.constant 2 : i32
    %dma_wait3A_336 = arith.constant 0 : i32
    %dma_wait3A_337 = tpu.memref_slice %arg3[%dma_wait3A_335, %add3A_288, %dma_wait3A_336] : memref<4x8192x1024xf32, #tpu.memory_space<hbm>> -> memref<1x32x1024xf32, #tpu.memory_space<hbm>>
    %dma_wait3A_338 = tpu.memref_squeeze %dma_wait3A_337 : memref<1x32x1024xf32, #tpu.memory_space<hbm>> -> memref<32x1024xf32, #tpu.memory_space<hbm>>
    %dma_wait3A_339 = arith.constant 0 : i32
    %dma_wait3A_340 = tpu.memref_slice %arg3[%dma_wait3A_335, %add3A_288, %dma_wait3A_339] : memref<4x8192x1024xf32, #tpu.memory_space<hbm>> -> memref<1x32x1024xf32, #tpu.memory_space<hbm>>
    %dma_wait3A_341 = tpu.memref_squeeze %dma_wait3A_340 : memref<1x32x1024xf32, #tpu.memory_space<hbm>> -> memref<32x1024xf32, #tpu.memory_space<hbm>>
    tpu.wait_dma2 semaphore(%arg7 : memref<!tpu.dma_semaphore, #tpu.memory_space<semaphore_mem>>) src(%arg4 : memref<32x1024xf32, #tpu.memory_space<vmem>>) dst(%dma_wait3A_341 : memref<32x1024xf32, #tpu.memory_space<hbm>>)
    %dma_wait3A_342 = arith.constant 3 : i32
    %dma_wait3A_343 = arith.constant 0 : i32
    %dma_wait3A_344 = tpu.memref_slice %arg3[%dma_wait3A_342, %add3A_288, %dma_wait3A_343] : memref<4x8192x1024xf32, #tpu.memory_space<hbm>> -> memref<1x32x1024xf32, #tpu.memory_space<hbm>>
    %dma_wait3A_345 = tpu.memref_squeeze %dma_wait3A_344 : memref<1x32x1024xf32, #tpu.memory_space<hbm>> -> memref<32x1024xf32, #tpu.memory_space<hbm>>
    %dma_wait3A_346 = arith.constant 0 : i32
    %dma_wait3A_347 = tpu.memref_slice %arg3[%dma_wait3A_342, %add3A_288, %dma_wait3A_346] : memref<4x8192x1024xf32, #tpu.memory_space<hbm>> -> memref<1x32x1024xf32, #tpu.memory_space<hbm>>
    %dma_wait3A_348 = tpu.memref_squeeze %dma_wait3A_347 : memref<1x32x1024xf32, #tpu.memory_space<hbm>> -> memref<32x1024xf32, #tpu.memory_space<hbm>>
    tpu.wait_dma2 semaphore(%arg7 : memref<!tpu.dma_semaphore, #tpu.memory_space<semaphore_mem>>) src(%arg4 : memref<32x1024xf32, #tpu.memory_space<vmem>>) dst(%dma_wait3A_348 : memref<32x1024xf32, #tpu.memory_space<hbm>>)
    %add3A_349 = arith.constant 192 : i32
    %add3A_350 = arith.addi %mul3A_2, %add3A_349 : i32
    %dma_start3A_351 = arith.constant 0 : i32
    %dma_start3A_352 = tpu.memref_slice %arg2[%add3A_350, %dma_start3A_351] : memref<8192x1024xf32, #tpu.memory_space<hbm>> -> memref<32x1024xf32, #tpu.memory_space<hbm>>
    %dma_start3A_353 = arith.constant 0 : i32
    %dma_start3A_354 = tpu.memref_slice %arg2[%add3A_350, %dma_start3A_353] : memref<8192x1024xf32, #tpu.memory_space<hbm>> -> memref<32x1024xf32, #tpu.memory_space<hbm>>
    tpu.enqueue_dma source(%dma_start3A_354 : memref<32x1024xf32, #tpu.memory_space<hbm>>) target(%arg4 : memref<32x1024xf32, #tpu.memory_space<vmem>>) target_semaphore(%arg6 : memref<!tpu.dma_semaphore, #tpu.memory_space<semaphore_mem>>)
    %add3A_355 = arith.constant 160 : i32
    %add3A_356 = arith.addi %mul3A_2, %add3A_355 : i32
    %dma_start3A_357 = arith.constant 0 : i32
    %dma_start3A_358 = arith.constant 0 : i32
    %dma_start3A_359 = tpu.memref_slice %arg3[%dma_start3A_357, %add3A_356, %dma_start3A_358] : memref<4x8192x1024xf32, #tpu.memory_space<hbm>> -> memref<1x32x1024xf32, #tpu.memory_space<hbm>>
    %dma_start3A_360 = tpu.memref_squeeze %dma_start3A_359 : memref<1x32x1024xf32, #tpu.memory_space<hbm>> -> memref<32x1024xf32, #tpu.memory_space<hbm>>
    %dma_start3A_361 = arith.constant 0 : i32
    %dma_start3A_362 = tpu.memref_slice %arg3[%dma_start3A_357, %add3A_356, %dma_start3A_361] : memref<4x8192x1024xf32, #tpu.memory_space<hbm>> -> memref<1x32x1024xf32, #tpu.memory_space<hbm>>
    %dma_start3A_363 = tpu.memref_squeeze %dma_start3A_362 : memref<1x32x1024xf32, #tpu.memory_space<hbm>> -> memref<32x1024xf32, #tpu.memory_space<hbm>>
    tpu.enqueue_dma source(%arg5 : memref<32x1024xf32, #tpu.memory_space<vmem>>) target(%dma_start3A_363 : memref<32x1024xf32, #tpu.memory_space<hbm>>) target_semaphore(%arg8 : memref<!tpu.dma_semaphore, #tpu.memory_space<semaphore_mem>>)
    %dma_start3A_364 = arith.constant 1 : i32
    %dma_start3A_365 = arith.constant 0 : i32
    %dma_start3A_366 = tpu.memref_slice %arg3[%dma_start3A_364, %add3A_356, %dma_start3A_365] : memref<4x8192x1024xf32, #tpu.memory_space<hbm>> -> memref<1x32x1024xf32, #tpu.memory_space<hbm>>
    %dma_start3A_367 = tpu.memref_squeeze %dma_start3A_366 : memref<1x32x1024xf32, #tpu.memory_space<hbm>> -> memref<32x1024xf32, #tpu.memory_space<hbm>>
    %dma_start3A_368 = arith.constant 0 : i32
    %dma_start3A_369 = tpu.memref_slice %arg3[%dma_start3A_364, %add3A_356, %dma_start3A_368] : memref<4x8192x1024xf32, #tpu.memory_space<hbm>> -> memref<1x32x1024xf32, #tpu.memory_space<hbm>>
    %dma_start3A_370 = tpu.memref_squeeze %dma_start3A_369 : memref<1x32x1024xf32, #tpu.memory_space<hbm>> -> memref<32x1024xf32, #tpu.memory_space<hbm>>
    tpu.enqueue_dma source(%arg5 : memref<32x1024xf32, #tpu.memory_space<vmem>>) target(%dma_start3A_370 : memref<32x1024xf32, #tpu.memory_space<hbm>>) target_semaphore(%arg8 : memref<!tpu.dma_semaphore, #tpu.memory_space<semaphore_mem>>)
    %dma_start3A_371 = arith.constant 2 : i32
    %dma_start3A_372 = arith.constant 0 : i32
    %dma_start3A_373 = tpu.memref_slice %arg3[%dma_start3A_371, %add3A_356, %dma_start3A_372] : memref<4x8192x1024xf32, #tpu.memory_space<hbm>> -> memref<1x32x1024xf32, #tpu.memory_space<hbm>>
    %dma_start3A_374 = tpu.memref_squeeze %dma_start3A_373 : memref<1x32x1024xf32, #tpu.memory_space<hbm>> -> memref<32x1024xf32, #tpu.memory_space<hbm>>
    %dma_start3A_375 = arith.constant 0 : i32
    %dma_start3A_376 = tpu.memref_slice %arg3[%dma_start3A_371, %add3A_356, %dma_start3A_375] : memref<4x8192x1024xf32, #tpu.memory_space<hbm>> -> memref<1x32x1024xf32, #tpu.memory_space<hbm>>
    %dma_start3A_377 = tpu.memref_squeeze %dma_start3A_376 : memref<1x32x1024xf32, #tpu.memory_space<hbm>> -> memref<32x1024xf32, #tpu.memory_space<hbm>>
    tpu.enqueue_dma source(%arg5 : memref<32x1024xf32, #tpu.memory_space<vmem>>) target(%dma_start3A_377 : memref<32x1024xf32, #tpu.memory_space<hbm>>) target_semaphore(%arg8 : memref<!tpu.dma_semaphore, #tpu.memory_space<semaphore_mem>>)
    %dma_start3A_378 = arith.constant 3 : i32
    %dma_start3A_379 = arith.constant 0 : i32
    %dma_start3A_380 = tpu.memref_slice %arg3[%dma_start3A_378, %add3A_356, %dma_start3A_379] : memref<4x8192x1024xf32, #tpu.memory_space<hbm>> -> memref<1x32x1024xf32, #tpu.memory_space<hbm>>
    %dma_start3A_381 = tpu.memref_squeeze %dma_start3A_380 : memref<1x32x1024xf32, #tpu.memory_space<hbm>> -> memref<32x1024xf32, #tpu.memory_space<hbm>>
    %dma_start3A_382 = arith.constant 0 : i32
    %dma_start3A_383 = tpu.memref_slice %arg3[%dma_start3A_378, %add3A_356, %dma_start3A_382] : memref<4x8192x1024xf32, #tpu.memory_space<hbm>> -> memref<1x32x1024xf32, #tpu.memory_space<hbm>>
    %dma_start3A_384 = tpu.memref_squeeze %dma_start3A_383 : memref<1x32x1024xf32, #tpu.memory_space<hbm>> -> memref<32x1024xf32, #tpu.memory_space<hbm>>
    tpu.enqueue_dma source(%arg5 : memref<32x1024xf32, #tpu.memory_space<vmem>>) target(%dma_start3A_384 : memref<32x1024xf32, #tpu.memory_space<hbm>>) target_semaphore(%arg8 : memref<!tpu.dma_semaphore, #tpu.memory_space<semaphore_mem>>)
    %dma_wait3A_385 = arith.constant 0 : i32
    %dma_wait3A_386 = tpu.memref_slice %arg2[%add3A_350, %dma_wait3A_385] : memref<8192x1024xf32, #tpu.memory_space<hbm>> -> memref<32x1024xf32, #tpu.memory_space<hbm>>
    %dma_wait3A_387 = arith.constant 0 : i32
    %dma_wait3A_388 = tpu.memref_slice %arg2[%add3A_350, %dma_wait3A_387] : memref<8192x1024xf32, #tpu.memory_space<hbm>> -> memref<32x1024xf32, #tpu.memory_space<hbm>>
    tpu.wait_dma2 semaphore(%arg6 : memref<!tpu.dma_semaphore, #tpu.memory_space<semaphore_mem>>) src(%dma_wait3A_388 : memref<32x1024xf32, #tpu.memory_space<hbm>>) dst(%arg4 : memref<32x1024xf32, #tpu.memory_space<vmem>>)
    %dma_wait3A_389 = arith.constant 0 : i32
    %dma_wait3A_390 = arith.constant 0 : i32
    %dma_wait3A_391 = tpu.memref_slice %arg3[%dma_wait3A_389, %add3A_356, %dma_wait3A_390] : memref<4x8192x1024xf32, #tpu.memory_space<hbm>> -> memref<1x32x1024xf32, #tpu.memory_space<hbm>>
    %dma_wait3A_392 = tpu.memref_squeeze %dma_wait3A_391 : memref<1x32x1024xf32, #tpu.memory_space<hbm>> -> memref<32x1024xf32, #tpu.memory_space<hbm>>
    %dma_wait3A_393 = arith.constant 0 : i32
    %dma_wait3A_394 = tpu.memref_slice %arg3[%dma_wait3A_389, %add3A_356, %dma_wait3A_393] : memref<4x8192x1024xf32, #tpu.memory_space<hbm>> -> memref<1x32x1024xf32, #tpu.memory_space<hbm>>
    %dma_wait3A_395 = tpu.memref_squeeze %dma_wait3A_394 : memref<1x32x1024xf32, #tpu.memory_space<hbm>> -> memref<32x1024xf32, #tpu.memory_space<hbm>>
    tpu.wait_dma2 semaphore(%arg8 : memref<!tpu.dma_semaphore, #tpu.memory_space<semaphore_mem>>) src(%arg5 : memref<32x1024xf32, #tpu.memory_space<vmem>>) dst(%dma_wait3A_395 : memref<32x1024xf32, #tpu.memory_space<hbm>>)
    %dma_wait3A_396 = arith.constant 1 : i32
    %dma_wait3A_397 = arith.constant 0 : i32
    %dma_wait3A_398 = tpu.memref_slice %arg3[%dma_wait3A_396, %add3A_356, %dma_wait3A_397] : memref<4x8192x1024xf32, #tpu.memory_space<hbm>> -> memref<1x32x1024xf32, #tpu.memory_space<hbm>>
    %dma_wait3A_399 = tpu.memref_squeeze %dma_wait3A_398 : memref<1x32x1024xf32, #tpu.memory_space<hbm>> -> memref<32x1024xf32, #tpu.memory_space<hbm>>
    %dma_wait3A_400 = arith.constant 0 : i32
    %dma_wait3A_401 = tpu.memref_slice %arg3[%dma_wait3A_396, %add3A_356, %dma_wait3A_400] : memref<4x8192x1024xf32, #tpu.memory_space<hbm>> -> memref<1x32x1024xf32, #tpu.memory_space<hbm>>
    %dma_wait3A_402 = tpu.memref_squeeze %dma_wait3A_401 : memref<1x32x1024xf32, #tpu.memory_space<hbm>> -> memref<32x1024xf32, #tpu.memory_space<hbm>>
    tpu.wait_dma2 semaphore(%arg8 : memref<!tpu.dma_semaphore, #tpu.memory_space<semaphore_mem>>) src(%arg5 : memref<32x1024xf32, #tpu.memory_space<vmem>>) dst(%dma_wait3A_402 : memref<32x1024xf32, #tpu.memory_space<hbm>>)
    %dma_wait3A_403 = arith.constant 2 : i32
    %dma_wait3A_404 = arith.constant 0 : i32
    %dma_wait3A_405 = tpu.memref_slice %arg3[%dma_wait3A_403, %add3A_356, %dma_wait3A_404] : memref<4x8192x1024xf32, #tpu.memory_space<hbm>> -> memref<1x32x1024xf32, #tpu.memory_space<hbm>>
    %dma_wait3A_406 = tpu.memref_squeeze %dma_wait3A_405 : memref<1x32x1024xf32, #tpu.memory_space<hbm>> -> memref<32x1024xf32, #tpu.memory_space<hbm>>
    %dma_wait3A_407 = arith.constant 0 : i32
    %dma_wait3A_408 = tpu.memref_slice %arg3[%dma_wait3A_403, %add3A_356, %dma_wait3A_407] : memref<4x8192x1024xf32, #tpu.memory_space<hbm>> -> memref<1x32x1024xf32, #tpu.memory_space<hbm>>
    %dma_wait3A_409 = tpu.memref_squeeze %dma_wait3A_408 : memref<1x32x1024xf32, #tpu.memory_space<hbm>> -> memref<32x1024xf32, #tpu.memory_space<hbm>>
    tpu.wait_dma2 semaphore(%arg8 : memref<!tpu.dma_semaphore, #tpu.memory_space<semaphore_mem>>) src(%arg5 : memref<32x1024xf32, #tpu.memory_space<vmem>>) dst(%dma_wait3A_409 : memref<32x1024xf32, #tpu.memory_space<hbm>>)
    %dma_wait3A_410 = arith.constant 3 : i32
    %dma_wait3A_411 = arith.constant 0 : i32
    %dma_wait3A_412 = tpu.memref_slice %arg3[%dma_wait3A_410, %add3A_356, %dma_wait3A_411] : memref<4x8192x1024xf32, #tpu.memory_space<hbm>> -> memref<1x32x1024xf32, #tpu.memory_space<hbm>>
    %dma_wait3A_413 = tpu.memref_squeeze %dma_wait3A_412 : memref<1x32x1024xf32, #tpu.memory_space<hbm>> -> memref<32x1024xf32, #tpu.memory_space<hbm>>
    %dma_wait3A_414 = arith.constant 0 : i32
    %dma_wait3A_415 = tpu.memref_slice %arg3[%dma_wait3A_410, %add3A_356, %dma_wait3A_414] : memref<4x8192x1024xf32, #tpu.memory_space<hbm>> -> memref<1x32x1024xf32, #tpu.memory_space<hbm>>
    %dma_wait3A_416 = tpu.memref_squeeze %dma_wait3A_415 : memref<1x32x1024xf32, #tpu.memory_space<hbm>> -> memref<32x1024xf32, #tpu.memory_space<hbm>>
    tpu.wait_dma2 semaphore(%arg8 : memref<!tpu.dma_semaphore, #tpu.memory_space<semaphore_mem>>) src(%arg5 : memref<32x1024xf32, #tpu.memory_space<vmem>>) dst(%dma_wait3A_416 : memref<32x1024xf32, #tpu.memory_space<hbm>>)
    %add3A_417 = arith.constant 224 : i32
    %add3A_418 = arith.addi %mul3A_2, %add3A_417 : i32
    %dma_start3A_419 = arith.constant 0 : i32
    %dma_start3A_420 = tpu.memref_slice %arg2[%add3A_418, %dma_start3A_419] : memref<8192x1024xf32, #tpu.memory_space<hbm>> -> memref<32x1024xf32, #tpu.memory_space<hbm>>
    %dma_start3A_421 = arith.constant 0 : i32
    %dma_start3A_422 = tpu.memref_slice %arg2[%add3A_418, %dma_start3A_421] : memref<8192x1024xf32, #tpu.memory_space<hbm>> -> memref<32x1024xf32, #tpu.memory_space<hbm>>
    tpu.enqueue_dma source(%dma_start3A_422 : memref<32x1024xf32, #tpu.memory_space<hbm>>) target(%arg5 : memref<32x1024xf32, #tpu.memory_space<vmem>>) target_semaphore(%arg6 : memref<!tpu.dma_semaphore, #tpu.memory_space<semaphore_mem>>)
    %add3A_423 = arith.constant 192 : i32
    %add3A_424 = arith.addi %mul3A_2, %add3A_423 : i32
    %dma_start3A_425 = arith.constant 0 : i32
    %dma_start3A_426 = arith.constant 0 : i32
    %dma_start3A_427 = tpu.memref_slice %arg3[%dma_start3A_425, %add3A_424, %dma_start3A_426] : memref<4x8192x1024xf32, #tpu.memory_space<hbm>> -> memref<1x32x1024xf32, #tpu.memory_space<hbm>>
    %dma_start3A_428 = tpu.memref_squeeze %dma_start3A_427 : memref<1x32x1024xf32, #tpu.memory_space<hbm>> -> memref<32x1024xf32, #tpu.memory_space<hbm>>
    %dma_start3A_429 = arith.constant 0 : i32
    %dma_start3A_430 = tpu.memref_slice %arg3[%dma_start3A_425, %add3A_424, %dma_start3A_429] : memref<4x8192x1024xf32, #tpu.memory_space<hbm>> -> memref<1x32x1024xf32, #tpu.memory_space<hbm>>
    %dma_start3A_431 = tpu.memref_squeeze %dma_start3A_430 : memref<1x32x1024xf32, #tpu.memory_space<hbm>> -> memref<32x1024xf32, #tpu.memory_space<hbm>>
    tpu.enqueue_dma source(%arg4 : memref<32x1024xf32, #tpu.memory_space<vmem>>) target(%dma_start3A_431 : memref<32x1024xf32, #tpu.memory_space<hbm>>) target_semaphore(%arg7 : memref<!tpu.dma_semaphore, #tpu.memory_space<semaphore_mem>>)
    %dma_start3A_432 = arith.constant 1 : i32
    %dma_start3A_433 = arith.constant 0 : i32
    %dma_start3A_434 = tpu.memref_slice %arg3[%dma_start3A_432, %add3A_424, %dma_start3A_433] : memref<4x8192x1024xf32, #tpu.memory_space<hbm>> -> memref<1x32x1024xf32, #tpu.memory_space<hbm>>
    %dma_start3A_435 = tpu.memref_squeeze %dma_start3A_434 : memref<1x32x1024xf32, #tpu.memory_space<hbm>> -> memref<32x1024xf32, #tpu.memory_space<hbm>>
    %dma_start3A_436 = arith.constant 0 : i32
    %dma_start3A_437 = tpu.memref_slice %arg3[%dma_start3A_432, %add3A_424, %dma_start3A_436] : memref<4x8192x1024xf32, #tpu.memory_space<hbm>> -> memref<1x32x1024xf32, #tpu.memory_space<hbm>>
    %dma_start3A_438 = tpu.memref_squeeze %dma_start3A_437 : memref<1x32x1024xf32, #tpu.memory_space<hbm>> -> memref<32x1024xf32, #tpu.memory_space<hbm>>
    tpu.enqueue_dma source(%arg4 : memref<32x1024xf32, #tpu.memory_space<vmem>>) target(%dma_start3A_438 : memref<32x1024xf32, #tpu.memory_space<hbm>>) target_semaphore(%arg7 : memref<!tpu.dma_semaphore, #tpu.memory_space<semaphore_mem>>)
    %dma_start3A_439 = arith.constant 2 : i32
    %dma_start3A_440 = arith.constant 0 : i32
    %dma_start3A_441 = tpu.memref_slice %arg3[%dma_start3A_439, %add3A_424, %dma_start3A_440] : memref<4x8192x1024xf32, #tpu.memory_space<hbm>> -> memref<1x32x1024xf32, #tpu.memory_space<hbm>>
    %dma_start3A_442 = tpu.memref_squeeze %dma_start3A_441 : memref<1x32x1024xf32, #tpu.memory_space<hbm>> -> memref<32x1024xf32, #tpu.memory_space<hbm>>
    %dma_start3A_443 = arith.constant 0 : i32
    %dma_start3A_444 = tpu.memref_slice %arg3[%dma_start3A_439, %add3A_424, %dma_start3A_443] : memref<4x8192x1024xf32, #tpu.memory_space<hbm>> -> memref<1x32x1024xf32, #tpu.memory_space<hbm>>
    %dma_start3A_445 = tpu.memref_squeeze %dma_start3A_444 : memref<1x32x1024xf32, #tpu.memory_space<hbm>> -> memref<32x1024xf32, #tpu.memory_space<hbm>>
    tpu.enqueue_dma source(%arg4 : memref<32x1024xf32, #tpu.memory_space<vmem>>) target(%dma_start3A_445 : memref<32x1024xf32, #tpu.memory_space<hbm>>) target_semaphore(%arg7 : memref<!tpu.dma_semaphore, #tpu.memory_space<semaphore_mem>>)
    %dma_start3A_446 = arith.constant 3 : i32
    %dma_start3A_447 = arith.constant 0 : i32
    %dma_start3A_448 = tpu.memref_slice %arg3[%dma_start3A_446, %add3A_424, %dma_start3A_447] : memref<4x8192x1024xf32, #tpu.memory_space<hbm>> -> memref<1x32x1024xf32, #tpu.memory_space<hbm>>
    %dma_start3A_449 = tpu.memref_squeeze %dma_start3A_448 : memref<1x32x1024xf32, #tpu.memory_space<hbm>> -> memref<32x1024xf32, #tpu.memory_space<hbm>>
    %dma_start3A_450 = arith.constant 0 : i32
    %dma_start3A_451 = tpu.memref_slice %arg3[%dma_start3A_446, %add3A_424, %dma_start3A_450] : memref<4x8192x1024xf32, #tpu.memory_space<hbm>> -> memref<1x32x1024xf32, #tpu.memory_space<hbm>>
    %dma_start3A_452 = tpu.memref_squeeze %dma_start3A_451 : memref<1x32x1024xf32, #tpu.memory_space<hbm>> -> memref<32x1024xf32, #tpu.memory_space<hbm>>
    tpu.enqueue_dma source(%arg4 : memref<32x1024xf32, #tpu.memory_space<vmem>>) target(%dma_start3A_452 : memref<32x1024xf32, #tpu.memory_space<hbm>>) target_semaphore(%arg7 : memref<!tpu.dma_semaphore, #tpu.memory_space<semaphore_mem>>)
    %dma_wait3A_453 = arith.constant 0 : i32
    %dma_wait3A_454 = tpu.memref_slice %arg2[%add3A_418, %dma_wait3A_453] : memref<8192x1024xf32, #tpu.memory_space<hbm>> -> memref<32x1024xf32, #tpu.memory_space<hbm>>
    %dma_wait3A_455 = arith.constant 0 : i32
    %dma_wait3A_456 = tpu.memref_slice %arg2[%add3A_418, %dma_wait3A_455] : memref<8192x1024xf32, #tpu.memory_space<hbm>> -> memref<32x1024xf32, #tpu.memory_space<hbm>>
    tpu.wait_dma2 semaphore(%arg6 : memref<!tpu.dma_semaphore, #tpu.memory_space<semaphore_mem>>) src(%dma_wait3A_456 : memref<32x1024xf32, #tpu.memory_space<hbm>>) dst(%arg5 : memref<32x1024xf32, #tpu.memory_space<vmem>>)
    %add3A_457 = arith.constant 224 : i32
    %add3A_458 = arith.addi %mul3A_2, %add3A_457 : i32
    %dma_start3A_459 = arith.constant 0 : i32
    %dma_start3A_460 = arith.constant 0 : i32
    %dma_start3A_461 = tpu.memref_slice %arg3[%dma_start3A_459, %add3A_458, %dma_start3A_460] : memref<4x8192x1024xf32, #tpu.memory_space<hbm>> -> memref<1x32x1024xf32, #tpu.memory_space<hbm>>
    %dma_start3A_462 = tpu.memref_squeeze %dma_start3A_461 : memref<1x32x1024xf32, #tpu.memory_space<hbm>> -> memref<32x1024xf32, #tpu.memory_space<hbm>>
    %dma_start3A_463 = arith.constant 0 : i32
    %dma_start3A_464 = tpu.memref_slice %arg3[%dma_start3A_459, %add3A_458, %dma_start3A_463] : memref<4x8192x1024xf32, #tpu.memory_space<hbm>> -> memref<1x32x1024xf32, #tpu.memory_space<hbm>>
    %dma_start3A_465 = tpu.memref_squeeze %dma_start3A_464 : memref<1x32x1024xf32, #tpu.memory_space<hbm>> -> memref<32x1024xf32, #tpu.memory_space<hbm>>
    tpu.enqueue_dma source(%arg5 : memref<32x1024xf32, #tpu.memory_space<vmem>>) target(%dma_start3A_465 : memref<32x1024xf32, #tpu.memory_space<hbm>>) target_semaphore(%arg8 : memref<!tpu.dma_semaphore, #tpu.memory_space<semaphore_mem>>)
    %dma_start3A_466 = arith.constant 1 : i32
    %dma_start3A_467 = arith.constant 0 : i32
    %dma_start3A_468 = tpu.memref_slice %arg3[%dma_start3A_466, %add3A_458, %dma_start3A_467] : memref<4x8192x1024xf32, #tpu.memory_space<hbm>> -> memref<1x32x1024xf32, #tpu.memory_space<hbm>>
    %dma_start3A_469 = tpu.memref_squeeze %dma_start3A_468 : memref<1x32x1024xf32, #tpu.memory_space<hbm>> -> memref<32x1024xf32, #tpu.memory_space<hbm>>
    %dma_start3A_470 = arith.constant 0 : i32
    %dma_start3A_471 = tpu.memref_slice %arg3[%dma_start3A_466, %add3A_458, %dma_start3A_470] : memref<4x8192x1024xf32, #tpu.memory_space<hbm>> -> memref<1x32x1024xf32, #tpu.memory_space<hbm>>
    %dma_start3A_472 = tpu.memref_squeeze %dma_start3A_471 : memref<1x32x1024xf32, #tpu.memory_space<hbm>> -> memref<32x1024xf32, #tpu.memory_space<hbm>>
    tpu.enqueue_dma source(%arg5 : memref<32x1024xf32, #tpu.memory_space<vmem>>) target(%dma_start3A_472 : memref<32x1024xf32, #tpu.memory_space<hbm>>) target_semaphore(%arg8 : memref<!tpu.dma_semaphore, #tpu.memory_space<semaphore_mem>>)
    %dma_start3A_473 = arith.constant 2 : i32
    %dma_start3A_474 = arith.constant 0 : i32
    %dma_start3A_475 = tpu.memref_slice %arg3[%dma_start3A_473, %add3A_458, %dma_start3A_474] : memref<4x8192x1024xf32, #tpu.memory_space<hbm>> -> memref<1x32x1024xf32, #tpu.memory_space<hbm>>
    %dma_start3A_476 = tpu.memref_squeeze %dma_start3A_475 : memref<1x32x1024xf32, #tpu.memory_space<hbm>> -> memref<32x1024xf32, #tpu.memory_space<hbm>>
    %dma_start3A_477 = arith.constant 0 : i32
    %dma_start3A_478 = tpu.memref_slice %arg3[%dma_start3A_473, %add3A_458, %dma_start3A_477] : memref<4x8192x1024xf32, #tpu.memory_space<hbm>> -> memref<1x32x1024xf32, #tpu.memory_space<hbm>>
    %dma_start3A_479 = tpu.memref_squeeze %dma_start3A_478 : memref<1x32x1024xf32, #tpu.memory_space<hbm>> -> memref<32x1024xf32, #tpu.memory_space<hbm>>
    tpu.enqueue_dma source(%arg5 : memref<32x1024xf32, #tpu.memory_space<vmem>>) target(%dma_start3A_479 : memref<32x1024xf32, #tpu.memory_space<hbm>>) target_semaphore(%arg8 : memref<!tpu.dma_semaphore, #tpu.memory_space<semaphore_mem>>)
    %dma_start3A_480 = arith.constant 3 : i32
    %dma_start3A_481 = arith.constant 0 : i32
    %dma_start3A_482 = tpu.memref_slice %arg3[%dma_start3A_480, %add3A_458, %dma_start3A_481] : memref<4x8192x1024xf32, #tpu.memory_space<hbm>> -> memref<1x32x1024xf32, #tpu.memory_space<hbm>>
    %dma_start3A_483 = tpu.memref_squeeze %dma_start3A_482 : memref<1x32x1024xf32, #tpu.memory_space<hbm>> -> memref<32x1024xf32, #tpu.memory_space<hbm>>
    %dma_start3A_484 = arith.constant 0 : i32
    %dma_start3A_485 = tpu.memref_slice %arg3[%dma_start3A_480, %add3A_458, %dma_start3A_484] : memref<4x8192x1024xf32, #tpu.memory_space<hbm>> -> memref<1x32x1024xf32, #tpu.memory_space<hbm>>
    %dma_start3A_486 = tpu.memref_squeeze %dma_start3A_485 : memref<1x32x1024xf32, #tpu.memory_space<hbm>> -> memref<32x1024xf32, #tpu.memory_space<hbm>>
    tpu.enqueue_dma source(%arg5 : memref<32x1024xf32, #tpu.memory_space<vmem>>) target(%dma_start3A_486 : memref<32x1024xf32, #tpu.memory_space<hbm>>) target_semaphore(%arg8 : memref<!tpu.dma_semaphore, #tpu.memory_space<semaphore_mem>>)
    %dma_wait3A_487 = arith.constant 0 : i32
    %dma_wait3A_488 = arith.constant 0 : i32
    %dma_wait3A_489 = tpu.memref_slice %arg3[%dma_wait3A_487, %add3A_424, %dma_wait3A_488] : memref<4x8192x1024xf32, #tpu.memory_space<hbm>> -> memref<1x32x1024xf32, #tpu.memory_space<hbm>>
    %dma_wait3A_490 = tpu.memref_squeeze %dma_wait3A_489 : memref<1x32x1024xf32, #tpu.memory_space<hbm>> -> memref<32x1024xf32, #tpu.memory_space<hbm>>
    %dma_wait3A_491 = arith.constant 0 : i32
    %dma_wait3A_492 = tpu.memref_slice %arg3[%dma_wait3A_487, %add3A_424, %dma_wait3A_491] : memref<4x8192x1024xf32, #tpu.memory_space<hbm>> -> memref<1x32x1024xf32, #tpu.memory_space<hbm>>
    %dma_wait3A_493 = tpu.memref_squeeze %dma_wait3A_492 : memref<1x32x1024xf32, #tpu.memory_space<hbm>> -> memref<32x1024xf32, #tpu.memory_space<hbm>>
    tpu.wait_dma2 semaphore(%arg7 : memref<!tpu.dma_semaphore, #tpu.memory_space<semaphore_mem>>) src(%arg4 : memref<32x1024xf32, #tpu.memory_space<vmem>>) dst(%dma_wait3A_493 : memref<32x1024xf32, #tpu.memory_space<hbm>>)
    %dma_wait3A_494 = arith.constant 1 : i32
    %dma_wait3A_495 = arith.constant 0 : i32
    %dma_wait3A_496 = tpu.memref_slice %arg3[%dma_wait3A_494, %add3A_424, %dma_wait3A_495] : memref<4x8192x1024xf32, #tpu.memory_space<hbm>> -> memref<1x32x1024xf32, #tpu.memory_space<hbm>>
    %dma_wait3A_497 = tpu.memref_squeeze %dma_wait3A_496 : memref<1x32x1024xf32, #tpu.memory_space<hbm>> -> memref<32x1024xf32, #tpu.memory_space<hbm>>
    %dma_wait3A_498 = arith.constant 0 : i32
    %dma_wait3A_499 = tpu.memref_slice %arg3[%dma_wait3A_494, %add3A_424, %dma_wait3A_498] : memref<4x8192x1024xf32, #tpu.memory_space<hbm>> -> memref<1x32x1024xf32, #tpu.memory_space<hbm>>
    %dma_wait3A_500 = tpu.memref_squeeze %dma_wait3A_499 : memref<1x32x1024xf32, #tpu.memory_space<hbm>> -> memref<32x1024xf32, #tpu.memory_space<hbm>>
    tpu.wait_dma2 semaphore(%arg7 : memref<!tpu.dma_semaphore, #tpu.memory_space<semaphore_mem>>) src(%arg4 : memref<32x1024xf32, #tpu.memory_space<vmem>>) dst(%dma_wait3A_500 : memref<32x1024xf32, #tpu.memory_space<hbm>>)
    %dma_wait3A_501 = arith.constant 2 : i32
    %dma_wait3A_502 = arith.constant 0 : i32
    %dma_wait3A_503 = tpu.memref_slice %arg3[%dma_wait3A_501, %add3A_424, %dma_wait3A_502] : memref<4x8192x1024xf32, #tpu.memory_space<hbm>> -> memref<1x32x1024xf32, #tpu.memory_space<hbm>>
    %dma_wait3A_504 = tpu.memref_squeeze %dma_wait3A_503 : memref<1x32x1024xf32, #tpu.memory_space<hbm>> -> memref<32x1024xf32, #tpu.memory_space<hbm>>
    %dma_wait3A_505 = arith.constant 0 : i32
    %dma_wait3A_506 = tpu.memref_slice %arg3[%dma_wait3A_501, %add3A_424, %dma_wait3A_505] : memref<4x8192x1024xf32, #tpu.memory_space<hbm>> -> memref<1x32x1024xf32, #tpu.memory_space<hbm>>
    %dma_wait3A_507 = tpu.memref_squeeze %dma_wait3A_506 : memref<1x32x1024xf32, #tpu.memory_space<hbm>> -> memref<32x1024xf32, #tpu.memory_space<hbm>>
    tpu.wait_dma2 semaphore(%arg7 : memref<!tpu.dma_semaphore, #tpu.memory_space<semaphore_mem>>) src(%arg4 : memref<32x1024xf32, #tpu.memory_space<vmem>>) dst(%dma_wait3A_507 : memref<32x1024xf32, #tpu.memory_space<hbm>>)
    %dma_wait3A_508 = arith.constant 3 : i32
    %dma_wait3A_509 = arith.constant 0 : i32
    %dma_wait3A_510 = tpu.memref_slice %arg3[%dma_wait3A_508, %add3A_424, %dma_wait3A_509] : memref<4x8192x1024xf32, #tpu.memory_space<hbm>> -> memref<1x32x1024xf32, #tpu.memory_space<hbm>>
    %dma_wait3A_511 = tpu.memref_squeeze %dma_wait3A_510 : memref<1x32x1024xf32, #tpu.memory_space<hbm>> -> memref<32x1024xf32, #tpu.memory_space<hbm>>
    %dma_wait3A_512 = arith.constant 0 : i32
    %dma_wait3A_513 = tpu.memref_slice %arg3[%dma_wait3A_508, %add3A_424, %dma_wait3A_512] : memref<4x8192x1024xf32, #tpu.memory_space<hbm>> -> memref<1x32x1024xf32, #tpu.memory_space<hbm>>
    %dma_wait3A_514 = tpu.memref_squeeze %dma_wait3A_513 : memref<1x32x1024xf32, #tpu.memory_space<hbm>> -> memref<32x1024xf32, #tpu.memory_space<hbm>>
    tpu.wait_dma2 semaphore(%arg7 : memref<!tpu.dma_semaphore, #tpu.memory_space<semaphore_mem>>) src(%arg4 : memref<32x1024xf32, #tpu.memory_space<vmem>>) dst(%dma_wait3A_514 : memref<32x1024xf32, #tpu.memory_space<hbm>>)
    %dma_wait3A_515 = arith.constant 0 : i32
    %dma_wait3A_516 = arith.constant 0 : i32
    %dma_wait3A_517 = tpu.memref_slice %arg3[%dma_wait3A_515, %add3A_458, %dma_wait3A_516] : memref<4x8192x1024xf32, #tpu.memory_space<hbm>> -> memref<1x32x1024xf32, #tpu.memory_space<hbm>>
    %dma_wait3A_518 = tpu.memref_squeeze %dma_wait3A_517 : memref<1x32x1024xf32, #tpu.memory_space<hbm>> -> memref<32x1024xf32, #tpu.memory_space<hbm>>
    %dma_wait3A_519 = arith.constant 0 : i32
    %dma_wait3A_520 = tpu.memref_slice %arg3[%dma_wait3A_515, %add3A_458, %dma_wait3A_519] : memref<4x8192x1024xf32, #tpu.memory_space<hbm>> -> memref<1x32x1024xf32, #tpu.memory_space<hbm>>
    %dma_wait3A_521 = tpu.memref_squeeze %dma_wait3A_520 : memref<1x32x1024xf32, #tpu.memory_space<hbm>> -> memref<32x1024xf32, #tpu.memory_space<hbm>>
    tpu.wait_dma2 semaphore(%arg8 : memref<!tpu.dma_semaphore, #tpu.memory_space<semaphore_mem>>) src(%arg5 : memref<32x1024xf32, #tpu.memory_space<vmem>>) dst(%dma_wait3A_521 : memref<32x1024xf32, #tpu.memory_space<hbm>>)
    %dma_wait3A_522 = arith.constant 1 : i32
    %dma_wait3A_523 = arith.constant 0 : i32
    %dma_wait3A_524 = tpu.memref_slice %arg3[%dma_wait3A_522, %add3A_458, %dma_wait3A_523] : memref<4x8192x1024xf32, #tpu.memory_space<hbm>> -> memref<1x32x1024xf32, #tpu.memory_space<hbm>>
    %dma_wait3A_525 = tpu.memref_squeeze %dma_wait3A_524 : memref<1x32x1024xf32, #tpu.memory_space<hbm>> -> memref<32x1024xf32, #tpu.memory_space<hbm>>
    %dma_wait3A_526 = arith.constant 0 : i32
    %dma_wait3A_527 = tpu.memref_slice %arg3[%dma_wait3A_522, %add3A_458, %dma_wait3A_526] : memref<4x8192x1024xf32, #tpu.memory_space<hbm>> -> memref<1x32x1024xf32, #tpu.memory_space<hbm>>
    %dma_wait3A_528 = tpu.memref_squeeze %dma_wait3A_527 : memref<1x32x1024xf32, #tpu.memory_space<hbm>> -> memref<32x1024xf32, #tpu.memory_space<hbm>>
    tpu.wait_dma2 semaphore(%arg8 : memref<!tpu.dma_semaphore, #tpu.memory_space<semaphore_mem>>) src(%arg5 : memref<32x1024xf32, #tpu.memory_space<vmem>>) dst(%dma_wait3A_528 : memref<32x1024xf32, #tpu.memory_space<hbm>>)
    %dma_wait3A_529 = arith.constant 2 : i32
    %dma_wait3A_530 = arith.constant 0 : i32
    %dma_wait3A_531 = tpu.memref_slice %arg3[%dma_wait3A_529, %add3A_458, %dma_wait3A_530] : memref<4x8192x1024xf32, #tpu.memory_space<hbm>> -> memref<1x32x1024xf32, #tpu.memory_space<hbm>>
    %dma_wait3A_532 = tpu.memref_squeeze %dma_wait3A_531 : memref<1x32x1024xf32, #tpu.memory_space<hbm>> -> memref<32x1024xf32, #tpu.memory_space<hbm>>
    %dma_wait3A_533 = arith.constant 0 : i32
    %dma_wait3A_534 = tpu.memref_slice %arg3[%dma_wait3A_529, %add3A_458, %dma_wait3A_533] : memref<4x8192x1024xf32, #tpu.memory_space<hbm>> -> memref<1x32x1024xf32, #tpu.memory_space<hbm>>
    %dma_wait3A_535 = tpu.memref_squeeze %dma_wait3A_534 : memref<1x32x1024xf32, #tpu.memory_space<hbm>> -> memref<32x1024xf32, #tpu.memory_space<hbm>>
    tpu.wait_dma2 semaphore(%arg8 : memref<!tpu.dma_semaphore, #tpu.memory_space<semaphore_mem>>) src(%arg5 : memref<32x1024xf32, #tpu.memory_space<vmem>>) dst(%dma_wait3A_535 : memref<32x1024xf32, #tpu.memory_space<hbm>>)
    %dma_wait3A_536 = arith.constant 3 : i32
    %dma_wait3A_537 = arith.constant 0 : i32
    %dma_wait3A_538 = tpu.memref_slice %arg3[%dma_wait3A_536, %add3A_458, %dma_wait3A_537] : memref<4x8192x1024xf32, #tpu.memory_space<hbm>> -> memref<1x32x1024xf32, #tpu.memory_space<hbm>>
    %dma_wait3A_539 = tpu.memref_squeeze %dma_wait3A_538 : memref<1x32x1024xf32, #tpu.memory_space<hbm>> -> memref<32x1024xf32, #tpu.memory_space<hbm>>
    %dma_wait3A_540 = arith.constant 0 : i32
    %dma_wait3A_541 = tpu.memref_slice %arg3[%dma_wait3A_536, %add3A_458, %dma_wait3A_540] : memref<4x8192x1024xf32, #tpu.memory_space<hbm>> -> memref<1x32x1024xf32, #tpu.memory_space<hbm>>
    %dma_wait3A_542 = tpu.memref_squeeze %dma_wait3A_541 : memref<1x32x1024xf32, #tpu.memory_space<hbm>> -> memref<32x1024xf32, #tpu.memory_space<hbm>>
    tpu.wait_dma2 semaphore(%arg8 : memref<!tpu.dma_semaphore, #tpu.memory_space<semaphore_mem>>) src(%arg5 : memref<32x1024xf32, #tpu.memory_space<vmem>>) dst(%dma_wait3A_542 : memref<32x1024xf32, #tpu.memory_space<hbm>>)
    return
  }
}

</mosaic_0001>

<sc_bundles>
// kernel: kernel.3.cloned.1.call-start
scs
__scs_entry_jumppad:
0x0: {  	(pc) =	sbr.rel $0x88, $3  }
0x1: {  	(tag) =	ssettag $0x0;
	lr =	simm.s32 $0x1  }
0x2: {  	[smem:$0x3FA0] =	sst lr;
	_ =	strace $0xD0000000  }
0x3: {  	_ = 	snop  }
0x4: {  	_ = 	snop  }
0x5: {  	_ = 	snop  }
0x6: {  	_ = 	snop  }
0x7: {  	_ = 	snop  }
__scs_overlays_trampoline_lowered:
0x8: {  	[smem:$0x3FAF] =	sst s0  }
0x9: {  	[smem:$0x3FB0] =	sst s1  }
0xa: {  	[smem:$0x3FB1] =	sst s2  }
0xb: {  	[smem:$0x3FB2] =	sst s3  }
0xc: {  	[smem:$0x3FB3] =	sst s4  }
0xd: {  	[smem:$0x3FB4] =	sst s5  }
0xe: {  	[smem:$0x3FB5] =	sst s6  }
0xf: {  	[smem:$0x3FB6] =	sst s7  }
0x10: {  	[smem:$0x3FB7] =	sst s8  }
0x11: {  	[smem:$0x3FB8] =	sst s9;
	s0 =	simm.s32 @!p0 $0x0  }
0x12: {  	s1 =	sld [smem:$0x3F9E];
	s0 =	simm.s32 @p0 $0x1  }
0x13: {  	[smem:$0x3FB9] =	sst s0;
	s0 =	simm.s32 @!p1 $0x0  }
0x14: {  	s2 =	sld [smem:$0x3F9D];
	s0 =	simm.s32 @p1 $0x1  }
0x15: {  	[smem:$0x3FBA] =	sst s0;
	s0 =	simm.s32 @!p2 $0x0  }
0x16: {  	s3 =	sld [smem:$0x3FDB];
	s0 =	simm.s32 @p2 $0x1  }
0x17: {  	s4 =	simm.s32 $0x1BF5;
	[smem:$0x3FBC] =	sst s0  }
0x18: {  	s0 =	sld [smem:$0x3F9F];
	_ =	swait.ge [sflag:s4], $0x0  }
0x19: {  	s7 =	sld [smem:$0x3FA0]  }
0x1a: {  	s8 =	sadd.s32 $0xFFFFE003, lr  }
0x1b: {  	s9 =	sadd.s32 $0xFFFFFEF7, lr;
	s5 =	simm.s32 $0xFFFFFFFF;
	p2 =	slt.u32 s8, $0xFFFFF086  }
0x1c: {  	p1 =	slt.u32 s9, $0xF7A;
	s5 =	simm.s32 @!p2 $0x0  }
0x1d: {  	s5 =	simm.s32 @p1 $0x1;
	p0 =	seq.s32 s7, s2  }
0x1e: {  	s7 =	smul.u32 @!p0 $0xF7A, s2;
	p2 =	seq.s32 @!p0 s5, $0x0  }
0x1f: {  	s9 =	smul.u32 $0xF7A, s1;
	s8 =	simm.s32 @!p0 $0x1BF5;
	p2 =	por !p2, p0  }
0x20: {  	[sflag:s8] =	ssyncset.s32 @!p0 $0xFFFFF086;
	s6 =	sadd.s32 @!p0 s3, s7;
	s7 =	simm.s32 @!p0 $0x108  }
0x21: {  	s3 =	sadd.s32 s3, s9;
	s6 =	sadd.s32 @!p0 $0x88, s6;
	s7 =	simm.s32 @p2 $0x1082  }
0x22: {  	[simem:s7], [sflag:s8] =	dma.local @!p0 [hbm:s6], $0xF7A  }
0x23: {  	s9 =	sor.u32 $0xD0000000, s2;
	s6 =	simm.s32 $0x108;
	_ =	swait.ge @!p0 [sflag:s8], $0x0  }
0x24: {  	s3 =	sadd.s32 $0x88, s3;
	s6 =	simm.s32 @!p1 $0x1082;
	[sflag:s4] =	ssyncset.s32 $0xFFFFF086  }
0x25: {  	[simem:s6], [sflag:s4] =	dma.local [hbm:s3], $0xF7A  }
0x26: {  	[smem:$0x3FA0] =	sst s1;
	(tag) =	ssettag s2;
	_ =	strace s9  }
0x27: {  	s1 =	sld [smem:$0x3FB0]  }
0x28: {  	s2 =	sld [smem:$0x3FB1]  }
0x29: {  	s4 =	sld [smem:$0x3FB3]  }
0x2a: {  	p0 =	seq.s32 s5, $0x0;
	s5 =	sld [smem:$0x3FB4]  }
0x2b: {  	s6 =	sld [smem:$0x3FB5]  }
0x2c: {  	s7 =	sld [smem:$0x3FB6]  }
0x2d: {  	s3 =	simm.s32 $0x108;
	s8 =	sld [smem:$0x3FB7]  }
0x2e: {  	s3 =	simm.s32 @!p0 $0x1082;
	s9 =	sld [smem:$0x3FB8]  }
0x2f: {  	lr =	sadd.s32 s0, s3;
	s0 =	sld [smem:$0x3FAF]  }
0x30: {  	s3 =	sld [smem:$0x3FB2]  }
0x31: {  	[smem:$0x3FBB] =	sst s10  }
0x32: {  	s10 =	sld [smem:$0x3FB9];
	_ =	sdelay $0x3  }
0x33: {  	p0 =	seq.s32 s10, $0x1;
	s10 =	sld [smem:$0x3FBB];
	_ =	sdelay $0x3  }
0x34: {  	[smem:$0x3FBB] =	sst s10  }
0x35: {  	s10 =	sld [smem:$0x3FBA];
	_ =	sdelay $0x3  }
0x36: {  	p1 =	seq.s32 s10, $0x1;
	s10 =	sld [smem:$0x3FBB];
	_ =	sdelay $0x3  }
0x37: {  	[smem:$0x3FBB] =	sst s10  }
0x38: {  	s10 =	sld [smem:$0x3FBC]  }
0x39: {  	_ = 	snop;
	(pc) =	sbr.ind lr, $3  }
0x3a: {  	_ = 	snop  }
0x3b: {  	_ = 	snop  }
0x3c: {  	p2 =	seq.s32 s10, $0x1;
	s10 =	sld [smem:$0x3FBB]  }
0x3d: {  	_ =	shalt  }
0x3e: {  	_ =	shalt  }
0x3f: {  	_ =	shalt  }
0x40: {  	_ =	shalt  }
0x41: {  	_ =	shalt  }
0x42: {  	_ =	shalt  }
0x43: {  	_ =	shalt  }
0x44: {  	_ =	shalt  }
0x45: {  	_ =	shalt  }
0x46: {  	_ =	shalt  }
0x47: {  	_ =	shalt  }
0x48: {  	_ =	shalt  }
0x49: {  	_ =	shalt  }
0x4a: {  	_ =	shalt  }
0x4b: {  	_ =	shalt  }
0x4c: {  	_ =	shalt  }
0x4d: {  	_ =	shalt  }
0x4e: {  	_ =	shalt  }
0x4f: {  	_ =	shalt  }
0x50: {  	_ =	shalt  }
0x51: {  	_ =	shalt  }
0x52: {  	_ =	shalt  }
0x53: {  	_ =	shalt  }
0x54: {  	_ =	shalt  }
0x55: {  	_ =	shalt  }
0x56: {  	_ =	shalt  }
0x57: {  	_ =	shalt  }
0x58: {  	_ =	shalt  }
0x59: {  	_ =	shalt  }
0x5a: {  	_ =	shalt  }
0x5b: {  	_ =	shalt  }
0x5c: {  	_ =	shalt  }
0x5d: {  	_ =	shalt  }
0x5e: {  	_ =	shalt  }
0x5f: {  	_ =	shalt  }
0x60: {  	_ =	shalt  }
0x61: {  	_ =	shalt  }
0x62: {  	_ =	shalt  }
0x63: {  	_ =	shalt  }
0x64: {  	_ =	shalt  }
0x65: {  	_ =	shalt  }
0x66: {  	_ =	shalt  }
0x67: {  	_ =	shalt  }
0x68: {  	_ =	shalt  }
0x69: {  	_ =	shalt  }
0x6a: {  	_ =	shalt  }
0x6b: {  	_ =	shalt  }
0x6c: {  	_ =	shalt  }
0x6d: {  	_ =	shalt  }
0x6e: {  	_ =	shalt  }
0x6f: {  	_ =	shalt  }
0x70: {  	_ =	shalt  }
0x71: {  	_ =	shalt  }
0x72: {  	_ =	shalt  }
0x73: {  	_ =	shalt  }
0x74: {  	_ =	shalt  }
0x75: {  	_ =	shalt  }
0x76: {  	_ =	shalt  }
0x77: {  	_ =	shalt  }
0x78: {  	_ =	shalt  }
0x79: {  	_ =	shalt  }
0x7a: {  	_ =	shalt  }
0x7b: {  	_ =	shalt  }
0x7c: {  	_ =	shalt  }
0x7d: {  	_ =	shalt  }
0x7e: {  	_ =	shalt  }
0x7f: {  	_ =	shalt  }
0x80: {  	_ =	shalt  }
0x81: {  	_ =	shalt  }
0x82: {  	_ =	shalt  }
0x83: {  	_ =	shalt  }
0x84: {  	_ =	shalt  }
0x85: {  	_ =	shalt  }
0x86: {  	_ =	shalt  }
0x87: {  	_ =	shalt  }
.Lfunc_end0:
.L_simem_size_0:
called_computation_lowered:
.L_overlay_start_0:
0x88: {  	s2 =	sld [smem:$0x3FD9]  }
0x89: {  	s3 =	sld [smem:$0x3FFE];
	_ =	sdelay $0x1  }
0x8a: {  	s1 =	srdreg.scid  }
0x8b: {  	s0 =	sand.u32 $0x1, s1  }
0x8c: {  	s18 =	sshll.u32 s0, $0xA;
	s2 =	sadd.s32 s3, s2  }
0x8d: {  	s2 =	sadd.s32 s2, s18  }
0x8e: {  	[smem:$0x3FC7] =	sst s2  }
0x8f: {  	_ = 	snop  }
0x90: {  	s2 =	sld [smem:$0x3FC9]  }
0x91: {  	s19 =	sld [smem:$0x3FD0];
	(tm) =	ssettm $0x1  }
0x92: {  	s4 =	sld [smem:$0x3FFB];
	_ =	sdelay $0x3  }
0x93: {  	_ =	strace s4  }
0x94: {  	s4 =	sld [smem:$0x3FFC];
	_ =	sdelay $0x3  }
0x95: {  	_ =	strace s4  }
0x96: {  	s4 =	sld [smem:$0x3FFD];
	_ =	sdelay $0x3  }
0x97: {  	_ =	strace s4  }
0x98: {  	_ =	strace $0x8FFFFFFF  }
0x99: {  	s20 =	sld [smem:$0x3FDB];
	_ =	sdelay $0x1  }
0x9a: {  	s5 =	simm.s32 $_scs_section_size  }
0x9b: {  	s6 =	simm.s32 $_size__tile_overlayer_lowered;
	s7 =	simm.s32 $_tile_overlayer_lowered  }
0x9c: {  	s23 =	simm.s32 $0x1BFF;
	s22 =	sshll.u32 s7, $0x1;
	s4 =	sadd.s32 s5, s20  }
0x9d: {  	s8 =	simm.s32 $0x0;
	s21 =	sshll.u32 s6, $0x1;
	s6 =	sadd.s32 s22, s4  }
0x9e: {  	[timem:s8], [sflag:s23] =	dma.local [hbm:s6], s21  }
0x9f: {  	_ =	swait.ge [sflag:s23], s21  }
0xa0: {  	s5 =	ssub.s32 $0x0, s21;
	[sflag:s23] =	ssyncset.done $0x0  }
0xa1: {  	[sflag:s23] =	ssyncadd.s32 s5;
	_ =	sdelay $0x1  }
0xa2: {  	s24 =	simm.s32 $0x1B8B  }
0xa3: {  	_ =	swait.ge [sflag:s24], $0x1  }
0xa4: {  	[sflag:s24] =	ssyncset.done $0x0  }
0xa5: {  	s25 =	simm.s32 $0x1B8E;
	[sflag:s24] =	ssyncadd.s32 $0xFFFFFFFF  }
0xa6: {  	s26 =	simm.s32 $execute0_lowered;
	[smem:$0x3FD2] =	sst s25  }
0xa7: {  	s5 =	sshll.u32 s26, $0x1;
	_ =	strace $0x80000046;
	[dreg:$0x1] =	wrdreg $0xFFFFFFFF  }
0xa8: {  	s28 =	simm.s32 $_size_execute0_lowered;
	s4 =	sadd.s32 s4, s5;
	[dreg:$0x0] =	wrdreg $0x0  }
0xa9: {  	s5 =	sshll.u32 s28, $0x1;
	[dreg:$0x2] =	wrdreg s4  }
0xaa: {  	[dreg:$0x3] =	wrdreg s5  }
0xab: {  	[dreg:$0x4] =	wrdreg $0xC0  }
0xac: {  	_ =	task [dreg:s8], $0x5FFFF  }
0xad: {  	[dreg:$0x1] =	wrdreg $0xFFFFFFFF  }
0xae: {  	[dreg:$0x0] =	wrdreg $0x60  }
0xaf: {  	[dreg:$0x2] =	wrdreg s2  }
0xb0: {  	[dreg:$0x3] =	wrdreg s19  }
0xb1: {  	[dreg:$0x4] =	wrdreg $0x9  }
0xb2: {  	_ =	task.clear_ibuf [dreg:s8], $0x5FFFF;
	_ =	strace $0x90000046  }
0xb3: {  	s29 =	simm.s32 $0x9;
	_ =	strace $0x80000048  }
0xb4: {  	_ =	swait.ge [sflag:s29], $0x1  }
0xb5: {  	[sflag:s29] =	ssyncadd.s32 $0xFFFFFFFF  }
0xb6: {  	_ =	strace $0x90000048  }
0xb7: {  	_ =	sfence  }
0xb8: {  	s30 =	sld [smem:$0x0];
	_ =	sdelay $0x2  }
0xb9: {  	s31 =	sshll.u32 s1, $0xD;
	s1 =	sshrl.u32 s1, $0x2  }
0xba: {  	s3 =	sand.u32 $0x4000, s31;
	s1 =	sadd.s32 s1, s30  }
0xbb: {  	s0 =	sor.u32 s3, s0;
	s1 =	sshll.u32 s1, $0x11  }
0xbc: {  	s0 =	sor.u32 s1, s0  }
0xbd: {  	s0 =	sadd.s32 $0x8F2B, s0  }
0xbe: {  	[sflag:s0] =	ssyncadd.remote.s32 $0x1  }
0xbf: {  	_ =	sfence.sel $0xFFFF  }
0xc0: {  	[dreg:$0x0] =	wrdreg $0xFFFFFFFF;
	(pc) =	sbr.abs _section_cstart, $3  }
0xc1: {  	[dreg:$0x1] =	wrdreg $0xFFFFFFFF  }
0xc2: {  	_ =	task.clear_ibuf [dreg:s8], $0x2FFFF;
	_ =	strace $0x9FFFFFFF  }
0xc3: {  	(tm) =	ssettm $0x7FFFFFFF  }
tec
execute0_lowered:
.L_overlay_start_1:
0x0: {  	(tag) =	ssettag $0x1  }
0x1: {  	s3 =	rddreg [dreg:$0x0]  }
0x2: {  	s0 =	rddreg [dreg:$0x1];
	s1 =	srdreg.scid  }
0x3: {  	s4 =	stileid.u32;
	s2 =	simm.s32 $0x0;
	s1 =	sand.u32 $0x1, s1  }
0x4: {  	p0 =	por $0x0, $0x0;
	s4 =	sshll.u32 s4, $0x10;
	s5 =	sshll.u32 s1, $0xF  }
0x5: {  	s31 =	simm.s32 $0x1;
	[smem:$0x7FF] =	sst s2;
	s4 =	sor.u32 s5, s4  }
0x6: {  	_ =	strace $0x80000047;
	s5 =	sadd.s32 s3, s4;
	s8 =	sor.u32 $0x1000, s4  }
0x7: {  	s6 =	sadd.s32 s0, s4;
	[dreg:$0x3] =	wrdreg s5;
	s18 =	sadd.s32 s3, s8  }
0x8: {  	s1 =	ssub.s32 $0x2, s1;
	s19 =	sadd.s32 $0x100000, s6;
	[dreg:$0x4] =	wrdreg s18  }
0x9: {  	s12 =	sshrl.u32 s1, $0x1;
	s20 =	sadd.s32 $0x200000, s6;
	[dreg:$0x5] =	wrdreg s19  }
0xa: {  	s7 =	sor.u32 $0x2000, s4;
	s21 =	sadd.s32 $0x300000, s6;
	[dreg:$0x6] =	wrdreg s20  }
0xb: {  	s9 =	sor.u32 $0x3000, s4;
	s22 =	sadd.s32 s3, s7;
	[dreg:$0x7] =	wrdreg s21  }
0xc: {  	s15 =	sor.u32 $0x4000, s4;
	s23 =	sadd.s32 s0, s8;
	[dreg:$0x8] =	wrdreg s22  }
0xd: {  	s1 =	ssub.s32 s1, s12;
	s24 =	sadd.s32 $0x101000, s6;
	[dreg:$0x9] =	wrdreg s23  }
0xe: {  	s17 =	sor.u32 $0x5000, s4;
	s25 =	sadd.s32 $0x201000, s6;
	[dreg:$0xa] =	wrdreg s24  }
0xf: {  	s26 =	sadd.s32 $0x301000, s6;
	s8 =	sadd.s32 s3, s9;
	[dreg:$0xb] =	wrdreg s25  }
0x10: {  	s10 =	sadd.s32 s0, s7;
	s11 =	sadd.s32 $0x102000, s6;
	[dreg:$0xc] =	wrdreg s26  }
0x11: {  	s13 =	sadd.s32 $0x202000, s6;
	s14 =	sadd.s32 $0x302000, s6;
	[dreg:$0xd] =	wrdreg s8  }
0x12: {  	s16 =	sadd.s32 s3, s15;
	s28 =	sadd.s32 $0x103000, s6;
	[dreg:$0xe] =	wrdreg s10  }
0x13: {  	s29 =	sadd.s32 $0x203000, s6;
	s30 =	sadd.s32 $0x303000, s6;
	[dreg:$0xf] =	wrdreg s11  }
0x14: {  	s5 =	sadd.s32 s0, s17;
	s1 =	smax.u32 s1, $0x1;
	[dreg:$0x10] =	wrdreg s13  }
0x15: {  	s7 =	sadd.s32 $0x207000, s6;
	s12 =	sadd.s32 $0x307000, s6;
	[dreg:$0x11] =	wrdreg s14  }
0x16: {  	[dreg:$0x12] =	wrdreg s16;
	s26 =	sadd.s32 s0, s9;
	s21 =	sadd.s32 s3, s17  }
0x17: {  	s22 =	sadd.s32 s0, s15;
	s23 =	sadd.s32 $0x104000, s6;
	s24 =	sadd.s32 $0x204000, s6  }
0x18: {  	s25 =	sadd.s32 $0x304000, s6;
	s18 =	sor.u32 $0x6000, s4;
	[dreg:$0x15] =	wrdreg s5  }
0x19: {  	s20 =	sadd.s32 $0x105000, s6;
	s4 =	sor.u32 $0x7000, s4;
	s9 =	sadd.s32 $0x106000, s6  }
0x1a: {  	s10 =	sadd.s32 $0x206000, s6;
	s11 =	sadd.s32 $0x306000, s6;
	p1 =	sne.s32 s1, $0x1  }
.Ltmp0:
0x1b: {  	s13 =	sadd.s32 $0xFFFFFFFF, s1;
	s1 =	rddreg [dreg:$0x3];
	(pc) =	sbr.rel @!p1 .LBB2_3-.Ltmp0, $4  }
0x1c: {  	s14 =	simm.s32 $0x8000;
	s19 =	sadd.s32 s3, s18;
	[dreg:$0x16] =	wrdreg s20  }
0x1d: {  	s20 =	sadd.s32 $0x305000, s6;
	s8 =	sadd.s32 s3, s4;
	s17 =	sadd.s32 s0, s18  }
0x1e: {  	s5 =	sadd.s32 s0, s4;
	s18 =	sadd.s32 $0x107000, s6;
	s4 =	simm.s32 $0x2  }
0x1f: {  	s3 =	simm.s32 $0x3;
	[dreg:$0x14] =	wrdreg s19;
	s19 =	sadd.s32 $0x205000, s6  }
0x20: {  	[tilespmem:s2], [sflag:$0x1] =	stream.linear.gather [hbm4b:s1+s2], $0x8000, $0x38;
	[tilespmem:$0x10000] =	vst v63  }
0x21: {  	_ =	swait.ge [sflag:s31], $0x8000  }
0x22: {  	[sflag:s31] =	ssyncset.done $0x0  }
0x23: {  	s0 =	rddreg [dreg:$0x4];
	[sflag:s31] =	ssyncadd.s32 $0xFFFF8000  }
0x24: {  	[tilespmem:s14], [sflag:$0x1] =	stream.linear.gather [hbm4b:s0+s2], $0x8000, $0x38;
	[tilespmem:$0x10000] =	vst v63  }
0x25: {  	_ = 	snop  }
0x26: {  	[hbm4b:s6+s2] =	stream.linear.scatter [tilespmem:s2], [sflag:$0x2], $0x8000, $0x38;
	[tilespmem:$0x10000] =	vst v63  }
0x27: {  	s15 =	rddreg [dreg:$0x5]  }
0x28: {  	[hbm4b:s15+s2] =	stream.linear.scatter [tilespmem:s2], [sflag:$0x2], $0x8000, $0x38;
	[tilespmem:$0x10000] =	vst v63  }
0x29: {  	s0 =	rddreg [dreg:$0x6]  }
0x2a: {  	[hbm4b:s0+s2] =	stream.linear.scatter [tilespmem:s2], [sflag:$0x2], $0x8000, $0x38;
	[tilespmem:$0x10000] =	vst v63  }
0x2b: {  	s16 =	rddreg [dreg:$0x7]  }
0x2c: {  	[hbm4b:s16+s2] =	stream.linear.scatter [tilespmem:s2], [sflag:$0x2], $0x8000, $0x38;
	[tilespmem:$0x10000] =	vst v63  }
0x2d: {  	_ =	swait.ge [sflag:s31], $0x8000  }
0x2e: {  	[sflag:s31] =	ssyncset.done $0x0  }
0x2f: {  	[sflag:s31] =	ssyncadd.s32 $0xFFFF8000  }
0x30: {  	_ =	swait.ge [sflag:s4], $0x8000  }
0x31: {  	[sflag:s4] =	ssyncset.done $0x0  }
0x32: {  	[sflag:s4] =	ssyncadd.s32 $0xFFFF8000  }
0x33: {  	_ =	swait.ge [sflag:s4], $0x8000  }
0x34: {  	[sflag:s4] =	ssyncset.done $0x0  }
0x35: {  	[sflag:s4] =	ssyncadd.s32 $0xFFFF8000  }
0x36: {  	_ =	swait.ge [sflag:s4], $0x8000  }
0x37: {  	[sflag:s4] =	ssyncset.done $0x0  }
0x38: {  	[sflag:s4] =	ssyncadd.s32 $0xFFFF8000  }
0x39: {  	_ =	swait.ge [sflag:s4], $0x8000  }
0x3a: {  	[sflag:s4] =	ssyncset.done $0x0  }
0x3b: {  	s1 =	rddreg [dreg:$0x8];
	[sflag:s4] =	ssyncadd.s32 $0xFFFF8000  }
0x3c: {  	[tilespmem:s2], [sflag:$0x1] =	stream.linear.gather [hbm4b:s1+s2], $0x8000, $0x38;
	[tilespmem:$0x10000] =	vst v63  }
0x3d: {  	s15 =	rddreg [dreg:$0x9]  }
0x3e: {  	[hbm4b:s15+s2] =	stream.linear.scatter [tilespmem:s14], [sflag:$0x3], $0x8000, $0x38;
	[tilespmem:$0x10000] =	vst v63  }
0x3f: {  	s16 =	rddreg [dreg:$0xa]  }
0x40: {  	[hbm4b:s16+s2] =	stream.linear.scatter [tilespmem:s14], [sflag:$0x3], $0x8000, $0x38;
	[tilespmem:$0x10000] =	vst v63  }
0x41: {  	s15 =	rddreg [dreg:$0xb]  }
0x42: {  	[hbm4b:s15+s2] =	stream.linear.scatter [tilespmem:s14], [sflag:$0x3], $0x8000, $0x38;
	[tilespmem:$0x10000] =	vst v63  }
0x43: {  	s16 =	rddreg [dreg:$0xc]  }
0x44: {  	[hbm4b:s16+s2] =	stream.linear.scatter [tilespmem:s14], [sflag:$0x3], $0x8000, $0x38;
	[tilespmem:$0x10000] =	vst v63  }
0x45: {  	_ =	swait.ge [sflag:s31], $0x8000  }
0x46: {  	[sflag:s31] =	ssyncset.done $0x0  }
0x47: {  	[sflag:s31] =	ssyncadd.s32 $0xFFFF8000  }
0x48: {  	_ =	swait.ge [sflag:s3], $0x8000  }
0x49: {  	[sflag:s3] =	ssyncset.done $0x0  }
0x4a: {  	[sflag:s3] =	ssyncadd.s32 $0xFFFF8000  }
0x4b: {  	_ =	swait.ge [sflag:s3], $0x8000  }
0x4c: {  	[sflag:s3] =	ssyncset.done $0x0  }
0x4d: {  	[sflag:s3] =	ssyncadd.s32 $0xFFFF8000  }
0x4e: {  	_ =	swait.ge [sflag:s3], $0x8000  }
0x4f: {  	[sflag:s3] =	ssyncset.done $0x0  }
0x50: {  	[sflag:s3] =	ssyncadd.s32 $0xFFFF8000  }
0x51: {  	_ =	swait.ge [sflag:s3], $0x8000  }
0x52: {  	[sflag:s3] =	ssyncset.done $0x0  }
0x53: {  	s15 =	rddreg [dreg:$0xd];
	[sflag:s3] =	ssyncadd.s32 $0xFFFF8000  }
0x54: {  	[tilespmem:s14], [sflag:$0x1] =	stream.linear.gather [hbm4b:s15+s2], $0x8000, $0x38;
	[tilespmem:$0x10000] =	vst v63  }
0x55: {  	s16 =	rddreg [dreg:$0xe]  }
0x56: {  	[hbm4b:s16+s2] =	stream.linear.scatter [tilespmem:s2], [sflag:$0x2], $0x8000, $0x38;
	[tilespmem:$0x10000] =	vst v63  }
0x57: {  	s15 =	rddreg [dreg:$0xf]  }
0x58: {  	[hbm4b:s15+s2] =	stream.linear.scatter [tilespmem:s2], [sflag:$0x2], $0x8000, $0x38;
	[tilespmem:$0x10000] =	vst v63  }
0x59: {  	s16 =	rddreg [dreg:$0x10]  }
0x5a: {  	[hbm4b:s16+s2] =	stream.linear.scatter [tilespmem:s2], [sflag:$0x2], $0x8000, $0x38;
	[tilespmem:$0x10000] =	vst v63  }
0x5b: {  	s15 =	rddreg [dreg:$0x11]  }
0x5c: {  	[hbm4b:s15+s2] =	stream.linear.scatter [tilespmem:s2], [sflag:$0x2], $0x8000, $0x38;
	[tilespmem:$0x10000] =	vst v63  }
0x5d: {  	_ =	swait.ge [sflag:s31], $0x8000  }
0x5e: {  	[sflag:s31] =	ssyncset.done $0x0  }
0x5f: {  	[sflag:s31] =	ssyncadd.s32 $0xFFFF8000  }
0x60: {  	_ =	swait.ge [sflag:s4], $0x8000  }
0x61: {  	[sflag:s4] =	ssyncset.done $0x0  }
0x62: {  	[sflag:s4] =	ssyncadd.s32 $0xFFFF8000  }
0x63: {  	_ =	swait.ge [sflag:s4], $0x8000  }
0x64: {  	[sflag:s4] =	ssyncset.done $0x0  }
0x65: {  	[sflag:s4] =	ssyncadd.s32 $0xFFFF8000  }
0x66: {  	_ =	swait.ge [sflag:s4], $0x8000  }
0x67: {  	[sflag:s4] =	ssyncset.done $0x0  }
0x68: {  	[sflag:s4] =	ssyncadd.s32 $0xFFFF8000  }
0x69: {  	_ =	swait.ge [sflag:s4], $0x8000  }
0x6a: {  	[sflag:s4] =	ssyncset.done $0x0  }
0x6b: {  	s16 =	rddreg [dreg:$0x12];
	[sflag:s4] =	ssyncadd.s32 $0xFFFF8000  }
0x6c: {  	[tilespmem:s2], [sflag:$0x1] =	stream.linear.gather [hbm4b:s16+s2], $0x8000, $0x38;
	[tilespmem:$0x10000] =	vst v63  }
0x6d: {  	_ = 	snop  }
0x6e: {  	[hbm4b:s26+s2] =	stream.linear.scatter [tilespmem:s14], [sflag:$0x3], $0x8000, $0x38;
	[tilespmem:$0x10000] =	vst v63  }
0x6f: {  	_ = 	snop  }
0x70: {  	[hbm4b:s28+s2] =	stream.linear.scatter [tilespmem:s14], [sflag:$0x3], $0x8000, $0x38;
	[tilespmem:$0x10000] =	vst v63  }
0x71: {  	_ = 	snop  }
0x72: {  	[hbm4b:s29+s2] =	stream.linear.scatter [tilespmem:s14], [sflag:$0x3], $0x8000, $0x38;
	[tilespmem:$0x10000] =	vst v63  }
0x73: {  	_ = 	snop  }
0x74: {  	[hbm4b:s30+s2] =	stream.linear.scatter [tilespmem:s14], [sflag:$0x3], $0x8000, $0x38;
	[tilespmem:$0x10000] =	vst v63  }
0x75: {  	_ =	swait.ge [sflag:s31], $0x8000  }
0x76: {  	[sflag:s31] =	ssyncset.done $0x0  }
0x77: {  	[sflag:s31] =	ssyncadd.s32 $0xFFFF8000  }
0x78: {  	_ =	swait.ge [sflag:s3], $0x8000  }
0x79: {  	[sflag:s3] =	ssyncset.done $0x0  }
0x7a: {  	[sflag:s3] =	ssyncadd.s32 $0xFFFF8000  }
0x7b: {  	_ =	swait.ge [sflag:s3], $0x8000  }
0x7c: {  	[sflag:s3] =	ssyncset.done $0x0  }
0x7d: {  	[sflag:s3] =	ssyncadd.s32 $0xFFFF8000  }
0x7e: {  	_ =	swait.ge [sflag:s3], $0x8000  }
0x7f: {  	[sflag:s3] =	ssyncset.done $0x0  }
0x80: {  	[sflag:s3] =	ssyncadd.s32 $0xFFFF8000  }
0x81: {  	_ =	swait.ge [sflag:s3], $0x8000  }
0x82: {  	[sflag:s3] =	ssyncset.done $0x0  }
0x83: {  	[sflag:s3] =	ssyncadd.s32 $0xFFFF8000  }
0x84: {  	[tilespmem:s14], [sflag:$0x1] =	stream.linear.gather [hbm4b:s21+s2], $0x8000, $0x38;
	[tilespmem:$0x10000] =	vst v63  }
0x85: {  	_ = 	snop  }
0x86: {  	[hbm4b:s22+s2] =	stream.linear.scatter [tilespmem:s2], [sflag:$0x2], $0x8000, $0x38;
	[tilespmem:$0x10000] =	vst v63  }
0x87: {  	_ = 	snop  }
0x88: {  	[hbm4b:s23+s2] =	stream.linear.scatter [tilespmem:s2], [sflag:$0x2], $0x8000, $0x38;
	[tilespmem:$0x10000] =	vst v63  }
0x89: {  	_ = 	snop  }
0x8a: {  	[hbm4b:s24+s2] =	stream.linear.scatter [tilespmem:s2], [sflag:$0x2], $0x8000, $0x38;
	[tilespmem:$0x10000] =	vst v63  }
0x8b: {  	_ = 	snop  }
0x8c: {  	[hbm4b:s25+s2] =	stream.linear.scatter [tilespmem:s2], [sflag:$0x2], $0x8000, $0x38;
	[tilespmem:$0x10000] =	vst v63  }
0x8d: {  	_ =	swait.ge [sflag:s31], $0x8000  }
0x8e: {  	[sflag:s31] =	ssyncset.done $0x0  }
0x8f: {  	[sflag:s31] =	ssyncadd.s32 $0xFFFF8000  }
0x90: {  	_ =	swait.ge [sflag:s4], $0x8000  }
0x91: {  	[sflag:s4] =	ssyncset.done $0x0  }
0x92: {  	[sflag:s4] =	ssyncadd.s32 $0xFFFF8000  }
0x93: {  	_ =	swait.ge [sflag:s4], $0x8000  }
0x94: {  	[sflag:s4] =	ssyncset.done $0x0  }
0x95: {  	[sflag:s4] =	ssyncadd.s32 $0xFFFF8000  }
0x96: {  	_ =	swait.ge [sflag:s4], $0x8000  }
0x97: {  	[sflag:s4] =	ssyncset.done $0x0  }
0x98: {  	[sflag:s4] =	ssyncadd.s32 $0xFFFF8000  }
0x99: {  	_ =	swait.ge [sflag:s4], $0x8000  }
0x9a: {  	[sflag:s4] =	ssyncset.done $0x0  }
0x9b: {  	s1 =	rddreg [dreg:$0x14];
	[sflag:s4] =	ssyncadd.s32 $0xFFFF8000  }
0x9c: {  	[tilespmem:s2], [sflag:$0x1] =	stream.linear.gather [hbm4b:s1+s2], $0x8000, $0x38;
	[tilespmem:$0x10000] =	vst v63  }
0x9d: {  	s15 =	rddreg [dreg:$0x15]  }
0x9e: {  	[hbm4b:s15+s2] =	stream.linear.scatter [tilespmem:s14], [sflag:$0x3], $0x8000, $0x38;
	[tilespmem:$0x10000] =	vst v63  }
0x9f: {  	s16 =	rddreg [dreg:$0x16]  }
0xa0: {  	[hbm4b:s16+s2] =	stream.linear.scatter [tilespmem:s14], [sflag:$0x3], $0x8000, $0x38;
	[tilespmem:$0x10000] =	vst v63  }
0xa1: {  	_ = 	snop  }
0xa2: {  	[hbm4b:s19+s2] =	stream.linear.scatter [tilespmem:s14], [sflag:$0x3], $0x8000, $0x38;
	[tilespmem:$0x10000] =	vst v63  }
0xa3: {  	_ = 	snop  }
0xa4: {  	[hbm4b:s20+s2] =	stream.linear.scatter [tilespmem:s14], [sflag:$0x3], $0x8000, $0x38;
	[tilespmem:$0x10000] =	vst v63  }
0xa5: {  	_ =	swait.ge [sflag:s31], $0x8000  }
0xa6: {  	[sflag:s31] =	ssyncset.done $0x0  }
0xa7: {  	[sflag:s31] =	ssyncadd.s32 $0xFFFF8000  }
0xa8: {  	_ =	swait.ge [sflag:s3], $0x8000  }
0xa9: {  	[sflag:s3] =	ssyncset.done $0x0  }
0xaa: {  	[sflag:s3] =	ssyncadd.s32 $0xFFFF8000  }
0xab: {  	_ =	swait.ge [sflag:s3], $0x8000  }
0xac: {  	[sflag:s3] =	ssyncset.done $0x0  }
0xad: {  	[sflag:s3] =	ssyncadd.s32 $0xFFFF8000  }
0xae: {  	_ =	swait.ge [sflag:s3], $0x8000  }
0xaf: {  	[sflag:s3] =	ssyncset.done $0x0  }
0xb0: {  	[sflag:s3] =	ssyncadd.s32 $0xFFFF8000  }
0xb1: {  	_ =	swait.ge [sflag:s3], $0x8000  }
0xb2: {  	[sflag:s3] =	ssyncset.done $0x0  }
0xb3: {  	[sflag:s3] =	ssyncadd.s32 $0xFFFF8000  }
0xb4: {  	[tilespmem:s14], [sflag:$0x1] =	stream.linear.gather [hbm4b:s8+s2], $0x8000, $0x38;
	[tilespmem:$0x10000] =	vst v63  }
0xb5: {  	_ = 	snop  }
0xb6: {  	[hbm4b:s17+s2] =	stream.linear.scatter [tilespmem:s2], [sflag:$0x2], $0x8000, $0x38;
	[tilespmem:$0x10000] =	vst v63  }
0xb7: {  	_ = 	snop  }
0xb8: {  	[hbm4b:s9+s2] =	stream.linear.scatter [tilespmem:s2], [sflag:$0x2], $0x8000, $0x38;
	[tilespmem:$0x10000] =	vst v63  }
0xb9: {  	_ = 	snop  }
0xba: {  	[hbm4b:s10+s2] =	stream.linear.scatter [tilespmem:s2], [sflag:$0x2], $0x8000, $0x38;
	[tilespmem:$0x10000] =	vst v63  }
0xbb: {  	_ = 	snop  }
0xbc: {  	[hbm4b:s11+s2] =	stream.linear.scatter [tilespmem:s2], [sflag:$0x2], $0x8000, $0x38;
	[tilespmem:$0x10000] =	vst v63  }
0xbd: {  	_ =	swait.ge [sflag:s31], $0x8000  }
0xbe: {  	[sflag:s31] =	ssyncset.done $0x0  }
0xbf: {  	[sflag:s31] =	ssyncadd.s32 $0xFFFF8000  }
0xc0: {  	[hbm4b:s5+s2] =	stream.linear.scatter [tilespmem:s14], [sflag:$0x3], $0x8000, $0x38;
	[tilespmem:$0x10000] =	vst v63  }
0xc1: {  	_ = 	snop  }
0xc2: {  	[hbm4b:s18+s2] =	stream.linear.scatter [tilespmem:s14], [sflag:$0x3], $0x8000, $0x38;
	[tilespmem:$0x10000] =	vst v63  }
0xc3: {  	_ = 	snop  }
0xc4: {  	[hbm4b:s7+s2] =	stream.linear.scatter [tilespmem:s14], [sflag:$0x3], $0x8000, $0x38;
	[tilespmem:$0x10000] =	vst v63  }
0xc5: {  	_ = 	snop  }
0xc6: {  	[hbm4b:s12+s2] =	stream.linear.scatter [tilespmem:s14], [sflag:$0x3], $0x8000, $0x38;
	[tilespmem:$0x10000] =	vst v63  }
0xc7: {  	_ =	swait.ge [sflag:s4], $0x8000  }
0xc8: {  	[sflag:s4] =	ssyncset.done $0x0  }
0xc9: {  	[sflag:s4] =	ssyncadd.s32 $0xFFFF8000  }
0xca: {  	_ =	swait.ge [sflag:s4], $0x8000  }
0xcb: {  	[sflag:s4] =	ssyncset.done $0x0  }
0xcc: {  	[sflag:s4] =	ssyncadd.s32 $0xFFFF8000  }
0xcd: {  	_ =	swait.ge [sflag:s4], $0x8000  }
0xce: {  	[sflag:s4] =	ssyncset.done $0x0  }
0xcf: {  	[sflag:s4] =	ssyncadd.s32 $0xFFFF8000  }
0xd0: {  	_ =	swait.ge [sflag:s4], $0x8000  }
0xd1: {  	[sflag:s4] =	ssyncset.done $0x0  }
0xd2: {  	[sflag:s4] =	ssyncadd.s32 $0xFFFF8000  }
0xd3: {  	_ =	swait.ge [sflag:s3], $0x8000  }
0xd4: {  	[sflag:s3] =	ssyncset.done $0x0  }
0xd5: {  	[sflag:s3] =	ssyncadd.s32 $0xFFFF8000  }
0xd6: {  	_ =	swait.ge [sflag:s3], $0x8000  }
0xd7: {  	[sflag:s3] =	ssyncset.done $0x0  }
0xd8: {  	p1 =	sne.s32 s13, $0x1;
	[sflag:s3] =	ssyncadd.s32 $0xFFFF8000  }
.Ltmp1:
0xd9: {  	_ =	swait.ge [sflag:s3], $0x8000;
	(pc) =	sbr.rel @!p1 .LBB2_3-.Ltmp1, $4  }
0xda: {  	[sflag:s3] =	ssyncset.done $0x0  }
0xdb: {  	[sflag:s3] =	ssyncadd.s32 $0xFFFF8000  }
0xdc: {  	p0 =	por $0x1, $0x1;
	_ =	swait.ge [sflag:s3], $0x8000;
	[dreg:$0x13] =	wrdreg s6  }
0xdd: {  	s0 =	sadd.s32 $0xFFFFFFFF, s13;
	s1 =	rddreg [dreg:$0x3];
	[sflag:s3] =	ssyncset.done $0x0  }
.LBB2_2:
0xde: {  	[sflag:s3] =	ssyncadd.s32 $0xFFFF8000  }
0xdf: {  	[tilespmem:s2], [sflag:$0x1] =	stream.linear.gather [hbm4b:s1+s2], $0x8000, $0x38;
	[tilespmem:$0x10000] =	vst v63  }
0xe0: {  	_ =	swait.ge [sflag:s31], $0x8000  }
0xe1: {  	[sflag:s31] =	ssyncset.done $0x0  }
0xe2: {  	s16 =	rddreg [dreg:$0x4];
	[sflag:s31] =	ssyncadd.s32 $0xFFFF8000  }
0xe3: {  	[tilespmem:s14], [sflag:$0x1] =	stream.linear.gather [hbm4b:s16+s2], $0x8000, $0x38;
	[tilespmem:$0x10000] =	vst v63  }
0xe4: {  	s1 =	rddreg [dreg:$0x5];
	s14 =	smov.u32 s30  }
0xe5: {  	s30 =	smov.u32 s29;
	s29 =	smov.u32 s28;
	s28 =	smov.u32 s26  }
0xe6: {  	[hbm4b:s6+s2] =	stream.linear.scatter [tilespmem:s2], [sflag:$0x2], $0x8000, $0x38;
	[tilespmem:$0x10000] =	vst v63  }
0xe7: {  	s26 =	smov.u32 s25;
	s25 =	smov.u32 s24;
	s24 =	smov.u32 s23  }
0xe8: {  	[hbm4b:s1+s2] =	stream.linear.scatter [tilespmem:s2], [sflag:$0x2], $0x8000, $0x38;
	[tilespmem:$0x10000] =	vst v63  }
0xe9: {  	s23 =	smov.u32 s22;
	s22 =	smov.u32 s21;
	s21 =	rddreg [dreg:$0x6]  }
0xea: {  	[hbm4b:s21+s2] =	stream.linear.scatter [tilespmem:s2], [sflag:$0x2], $0x8000, $0x38;
	[tilespmem:$0x10000] =	vst v63  }
0xeb: {  	s13 =	smov.u32 s7;
	s7 =	rddreg [dreg:$0x7]  }
0xec: {  	[hbm4b:s7+s2] =	stream.linear.scatter [tilespmem:s2], [sflag:$0x2], $0x8000, $0x38;
	[tilespmem:$0x10000] =	vst v63  }
0xed: {  	_ =	swait.ge [sflag:s31], $0x8000  }
0xee: {  	[sflag:s31] =	ssyncset.done $0x0  }
0xef: {  	[sflag:s31] =	ssyncadd.s32 $0xFFFF8000  }
0xf0: {  	_ =	swait.ge [sflag:s4], $0x8000  }
0xf1: {  	[sflag:s4] =	ssyncset.done $0x0  }
0xf2: {  	[sflag:s4] =	ssyncadd.s32 $0xFFFF8000  }
0xf3: {  	_ =	swait.ge [sflag:s4], $0x8000  }
0xf4: {  	[sflag:s4] =	ssyncset.done $0x0  }
0xf5: {  	[sflag:s4] =	ssyncadd.s32 $0xFFFF8000  }
0xf6: {  	_ =	swait.ge [sflag:s4], $0x8000  }
0xf7: {  	[sflag:s4] =	ssyncset.done $0x0  }
0xf8: {  	[sflag:s4] =	ssyncadd.s32 $0xFFFF8000  }
0xf9: {  	s16 =	smov.u32 s12;
	_ =	swait.ge [sflag:s4], $0x8000  }
0xfa: {  	s12 =	smov.u32 s11;
	s11 =	smov.u32 s10;
	[sflag:s4] =	ssyncset.done $0x0  }
0xfb: {  	s10 =	smov.u32 s9;
	s9 =	rddreg [dreg:$0x8];
	[sflag:s4] =	ssyncadd.s32 $0xFFFF8000  }
0xfc: {  	[tilespmem:s2], [sflag:$0x1] =	stream.linear.gather [hbm4b:s9+s2], $0x8000, $0x38;
	[tilespmem:$0x10000] =	vst v63  }
0xfd: {  	s15 =	simm.s32 $0x8000;
	s21 =	rddreg [dreg:$0x9]  }
0xfe: {  	[hbm4b:s21+s2] =	stream.linear.scatter [tilespmem:s15], [sflag:$0x3], $0x8000, $0x38;
	[tilespmem:$0x10000] =	vst v63  }
0xff: {  	s7 =	rddreg [dreg:$0xa]  }
0x100: {  	[hbm4b:s7+s2] =	stream.linear.scatter [tilespmem:s15], [sflag:$0x3], $0x8000, $0x38;
	[tilespmem:$0x10000] =	vst v63  }
0x101: {  	s9 =	rddreg [dreg:$0xb]  }
0x102: {  	[hbm4b:s9+s2] =	stream.linear.scatter [tilespmem:s15], [sflag:$0x3], $0x8000, $0x38;
	[tilespmem:$0x10000] =	vst v63  }
0x103: {  	s21 =	rddreg [dreg:$0xc]  }
0x104: {  	[hbm4b:s21+s2] =	stream.linear.scatter [tilespmem:s15], [sflag:$0x3], $0x8000, $0x38;
	[tilespmem:$0x10000] =	vst v63  }
0x105: {  	_ =	swait.ge [sflag:s31], $0x8000  }
0x106: {  	[sflag:s31] =	ssyncset.done $0x0  }
0x107: {  	[sflag:s31] =	ssyncadd.s32 $0xFFFF8000  }
0x108: {  	_ =	swait.ge [sflag:s3], $0x8000  }
0x109: {  	[sflag:s3] =	ssyncset.done $0x0  }
0x10a: {  	[sflag:s3] =	ssyncadd.s32 $0xFFFF8000  }
0x10b: {  	_ =	swait.ge [sflag:s3], $0x8000  }
0x10c: {  	[sflag:s3] =	ssyncset.done $0x0  }
0x10d: {  	[sflag:s3] =	ssyncadd.s32 $0xFFFF8000  }
0x10e: {  	_ =	swait.ge [sflag:s3], $0x8000  }
0x10f: {  	[sflag:s3] =	ssyncset.done $0x0  }
0x110: {  	[sflag:s3] =	ssyncadd.s32 $0xFFFF8000  }
0x111: {  	_ =	swait.ge [sflag:s3], $0x8000  }
0x112: {  	s7 =	rddreg [dreg:$0xd]  }
0x113: {  	s9 =	rddreg [dreg:$0xe]  }
0x114: {  	[sflag:s3] =	ssyncset.done $0x0;
	s21 =	rddreg [dreg:$0x10]  }
0x115: {  	s1 =	rddreg [dreg:$0x11];
	[sflag:s3] =	ssyncadd.s32 $0xFFFF8000  }
0x116: {  	[tilespmem:s15], [sflag:$0x1] =	stream.linear.gather [hbm4b:s7+s2], $0x8000, $0x38;
	[tilespmem:$0x10000] =	vst v63  }
0x117: {  	s6 =	smov.u32 s5;
	s5 =	smov.u32 s8;
	s8 =	rddreg [dreg:$0x14]  }
0x118: {  	[hbm4b:s9+s2] =	stream.linear.scatter [tilespmem:s2], [sflag:$0x2], $0x8000, $0x38;
	[tilespmem:$0x10000] =	vst v63  }
0x119: {  	s15 =	rddreg [dreg:$0xf]  }
0x11a: {  	[hbm4b:s15+s2] =	stream.linear.scatter [tilespmem:s2], [sflag:$0x2], $0x8000, $0x38;
	[tilespmem:$0x10000] =	vst v63  }
0x11b: {  	s7 =	smov.u32 s18;
	s18 =	rddreg [dreg:$0x16]  }
0x11c: {  	[hbm4b:s21+s2] =	stream.linear.scatter [tilespmem:s2], [sflag:$0x2], $0x8000, $0x38;
	[tilespmem:$0x10000] =	vst v63  }
0x11d: {  	s9 =	smov.u32 s17;
	s17 =	rddreg [dreg:$0x15]  }
0x11e: {  	[hbm4b:s1+s2] =	stream.linear.scatter [tilespmem:s2], [sflag:$0x2], $0x8000, $0x38;
	[tilespmem:$0x10000] =	vst v63  }
0x11f: {  	s15 =	smov.u32 s6;
	s6 =	rddreg [dreg:$0x13];
	_ =	swait.ge [sflag:s31], $0x8000  }
0x120: {  	[sflag:s31] =	ssyncset.done $0x0  }
0x121: {  	[sflag:s31] =	ssyncadd.s32 $0xFFFF8000  }
0x122: {  	_ =	swait.ge [sflag:s4], $0x8000  }
0x123: {  	[sflag:s4] =	ssyncset.done $0x0  }
0x124: {  	[sflag:s4] =	ssyncadd.s32 $0xFFFF8000  }
0x125: {  	_ =	swait.ge [sflag:s4], $0x8000  }
0x126: {  	[sflag:s4] =	ssyncset.done $0x0  }
0x127: {  	[sflag:s4] =	ssyncadd.s32 $0xFFFF8000  }
0x128: {  	_ =	swait.ge [sflag:s4], $0x8000  }
0x129: {  	[sflag:s4] =	ssyncset.done $0x0  }
0x12a: {  	s21 =	smov.u32 s22;
	s22 =	smov.u32 s23;
	[sflag:s4] =	ssyncadd.s32 $0xFFFF8000  }
0x12b: {  	s23 =	smov.u32 s24;
	s24 =	smov.u32 s25;
	_ =	swait.ge [sflag:s4], $0x8000  }
0x12c: {  	s25 =	smov.u32 s26;
	s26 =	smov.u32 s28;
	[sflag:s4] =	ssyncset.done $0x0  }
0x12d: {  	s28 =	smov.u32 s29;
	s1 =	rddreg [dreg:$0x12];
	[sflag:s4] =	ssyncadd.s32 $0xFFFF8000  }
0x12e: {  	[tilespmem:s2], [sflag:$0x1] =	stream.linear.gather [hbm4b:s1+s2], $0x8000, $0x38;
	[tilespmem:$0x10000] =	vst v63  }
0x12f: {  	s29 =	smov.u32 s30;
	s30 =	smov.u32 s14;
	s14 =	simm.s32 $0x8000  }
0x130: {  	[hbm4b:s26+s2] =	stream.linear.scatter [tilespmem:s14], [sflag:$0x3], $0x8000, $0x38;
	[tilespmem:$0x10000] =	vst v63  }
0x131: {  	_ = 	snop  }
0x132: {  	[hbm4b:s28+s2] =	stream.linear.scatter [tilespmem:s14], [sflag:$0x3], $0x8000, $0x38;
	[tilespmem:$0x10000] =	vst v63  }
0x133: {  	_ = 	snop  }
0x134: {  	[hbm4b:s29+s2] =	stream.linear.scatter [tilespmem:s14], [sflag:$0x3], $0x8000, $0x38;
	[tilespmem:$0x10000] =	vst v63  }
0x135: {  	_ = 	snop  }
0x136: {  	[hbm4b:s30+s2] =	stream.linear.scatter [tilespmem:s14], [sflag:$0x3], $0x8000, $0x38;
	[tilespmem:$0x10000] =	vst v63  }
0x137: {  	_ =	swait.ge [sflag:s31], $0x8000  }
0x138: {  	[sflag:s31] =	ssyncset.done $0x0  }
0x139: {  	[sflag:s31] =	ssyncadd.s32 $0xFFFF8000  }
0x13a: {  	_ =	swait.ge [sflag:s3], $0x8000  }
0x13b: {  	[sflag:s3] =	ssyncset.done $0x0  }
0x13c: {  	[sflag:s3] =	ssyncadd.s32 $0xFFFF8000  }
0x13d: {  	_ =	swait.ge [sflag:s3], $0x8000  }
0x13e: {  	[sflag:s3] =	ssyncset.done $0x0  }
0x13f: {  	[sflag:s3] =	ssyncadd.s32 $0xFFFF8000  }
0x140: {  	_ =	swait.ge [sflag:s3], $0x8000  }
0x141: {  	[sflag:s3] =	ssyncset.done $0x0  }
0x142: {  	[sflag:s3] =	ssyncadd.s32 $0xFFFF8000  }
0x143: {  	_ =	swait.ge [sflag:s3], $0x8000  }
0x144: {  	[sflag:s3] =	ssyncset.done $0x0  }
0x145: {  	[sflag:s3] =	ssyncadd.s32 $0xFFFF8000  }
0x146: {  	[tilespmem:s14], [sflag:$0x1] =	stream.linear.gather [hbm4b:s21+s2], $0x8000, $0x38;
	[tilespmem:$0x10000] =	vst v63  }
0x147: {  	_ = 	snop  }
0x148: {  	[hbm4b:s22+s2] =	stream.linear.scatter [tilespmem:s2], [sflag:$0x2], $0x8000, $0x38;
	[tilespmem:$0x10000] =	vst v63  }
0x149: {  	_ = 	snop  }
0x14a: {  	[hbm4b:s23+s2] =	stream.linear.scatter [tilespmem:s2], [sflag:$0x2], $0x8000, $0x38;
	[tilespmem:$0x10000] =	vst v63  }
0x14b: {  	_ = 	snop  }
0x14c: {  	[hbm4b:s24+s2] =	stream.linear.scatter [tilespmem:s2], [sflag:$0x2], $0x8000, $0x38;
	[tilespmem:$0x10000] =	vst v63  }
0x14d: {  	_ = 	snop  }
0x14e: {  	[hbm4b:s25+s2] =	stream.linear.scatter [tilespmem:s2], [sflag:$0x2], $0x8000, $0x38;
	[tilespmem:$0x10000] =	vst v63  }
0x14f: {  	_ =	swait.ge [sflag:s31], $0x8000  }
0x150: {  	[sflag:s31] =	ssyncset.done $0x0  }
0x151: {  	[sflag:s31] =	ssyncadd.s32 $0xFFFF8000  }
0x152: {  	_ =	swait.ge [sflag:s4], $0x8000  }
0x153: {  	[sflag:s4] =	ssyncset.done $0x0  }
0x154: {  	[sflag:s4] =	ssyncadd.s32 $0xFFFF8000  }
0x155: {  	_ =	swait.ge [sflag:s4], $0x8000  }
0x156: {  	[sflag:s4] =	ssyncset.done $0x0  }
0x157: {  	[sflag:s4] =	ssyncadd.s32 $0xFFFF8000  }
0x158: {  	_ =	swait.ge [sflag:s4], $0x8000  }
0x159: {  	[sflag:s4] =	ssyncset.done $0x0  }
0x15a: {  	[sflag:s4] =	ssyncadd.s32 $0xFFFF8000  }
0x15b: {  	_ =	swait.ge [sflag:s4], $0x8000  }
0x15c: {  	[sflag:s4] =	ssyncset.done $0x0  }
0x15d: {  	[sflag:s4] =	ssyncadd.s32 $0xFFFF8000  }
0x15e: {  	[tilespmem:s2], [sflag:$0x1] =	stream.linear.gather [hbm4b:s8+s2], $0x8000, $0x38;
	[tilespmem:$0x10000] =	vst v63  }
0x15f: {  	_ = 	snop  }
0x160: {  	[hbm4b:s17+s2] =	stream.linear.scatter [tilespmem:s14], [sflag:$0x3], $0x8000, $0x38;
	[tilespmem:$0x10000] =	vst v63  }
0x161: {  	_ = 	snop  }
0x162: {  	[hbm4b:s18+s2] =	stream.linear.scatter [tilespmem:s14], [sflag:$0x3], $0x8000, $0x38;
	[tilespmem:$0x10000] =	vst v63  }
0x163: {  	_ = 	snop  }
0x164: {  	[hbm4b:s19+s2] =	stream.linear.scatter [tilespmem:s14], [sflag:$0x3], $0x8000, $0x38;
	[tilespmem:$0x10000] =	vst v63  }
0x165: {  	_ = 	snop  }
0x166: {  	[hbm4b:s20+s2] =	stream.linear.scatter [tilespmem:s14], [sflag:$0x3], $0x8000, $0x38;
	[tilespmem:$0x10000] =	vst v63  }
0x167: {  	_ =	swait.ge [sflag:s31], $0x8000  }
0x168: {  	[sflag:s31] =	ssyncset.done $0x0  }
0x169: {  	[sflag:s31] =	ssyncadd.s32 $0xFFFF8000  }
0x16a: {  	_ =	swait.ge [sflag:s3], $0x8000  }
0x16b: {  	[sflag:s3] =	ssyncset.done $0x0  }
0x16c: {  	[sflag:s3] =	ssyncadd.s32 $0xFFFF8000  }
0x16d: {  	_ =	swait.ge [sflag:s3], $0x8000  }
0x16e: {  	[sflag:s3] =	ssyncset.done $0x0  }
0x16f: {  	[sflag:s3] =	ssyncadd.s32 $0xFFFF8000  }
0x170: {  	_ =	swait.ge [sflag:s3], $0x8000  }
0x171: {  	[sflag:s3] =	ssyncset.done $0x0  }
0x172: {  	[sflag:s3] =	ssyncadd.s32 $0xFFFF8000  }
0x173: {  	_ =	swait.ge [sflag:s3], $0x8000  }
0x174: {  	[sflag:s3] =	ssyncset.done $0x0  }
0x175: {  	[sflag:s3] =	ssyncadd.s32 $0xFFFF8000  }
0x176: {  	[tilespmem:s14], [sflag:$0x1] =	stream.linear.gather [hbm4b:s5+s2], $0x8000, $0x38;
	[tilespmem:$0x10000] =	vst v63  }
0x177: {  	_ = 	snop  }
0x178: {  	[hbm4b:s9+s2] =	stream.linear.scatter [tilespmem:s2], [sflag:$0x2], $0x8000, $0x38;
	[tilespmem:$0x10000] =	vst v63  }
0x179: {  	_ = 	snop  }
0x17a: {  	[hbm4b:s10+s2] =	stream.linear.scatter [tilespmem:s2], [sflag:$0x2], $0x8000, $0x38;
	[tilespmem:$0x10000] =	vst v63  }
0x17b: {  	_ = 	snop  }
0x17c: {  	[hbm4b:s11+s2] =	stream.linear.scatter [tilespmem:s2], [sflag:$0x2], $0x8000, $0x38;
	[tilespmem:$0x10000] =	vst v63  }
0x17d: {  	_ = 	snop  }
0x17e: {  	[hbm4b:s12+s2] =	stream.linear.scatter [tilespmem:s2], [sflag:$0x2], $0x8000, $0x38;
	[tilespmem:$0x10000] =	vst v63  }
0x17f: {  	_ =	swait.ge [sflag:s31], $0x8000  }
0x180: {  	[sflag:s31] =	ssyncset.done $0x0  }
0x181: {  	[sflag:s31] =	ssyncadd.s32 $0xFFFF8000  }
0x182: {  	[hbm4b:s15+s2] =	stream.linear.scatter [tilespmem:s14], [sflag:$0x3], $0x8000, $0x38;
	[tilespmem:$0x10000] =	vst v63  }
0x183: {  	_ = 	snop  }
0x184: {  	[hbm4b:s7+s2] =	stream.linear.scatter [tilespmem:s14], [sflag:$0x3], $0x8000, $0x38;
	[tilespmem:$0x10000] =	vst v63  }
0x185: {  	_ = 	snop  }
0x186: {  	[hbm4b:s13+s2] =	stream.linear.scatter [tilespmem:s14], [sflag:$0x3], $0x8000, $0x38;
	[tilespmem:$0x10000] =	vst v63  }
0x187: {  	_ = 	snop  }
0x188: {  	[hbm4b:s16+s2] =	stream.linear.scatter [tilespmem:s14], [sflag:$0x3], $0x8000, $0x38;
	[tilespmem:$0x10000] =	vst v63  }
0x189: {  	_ =	swait.ge [sflag:s4], $0x8000  }
0x18a: {  	[sflag:s4] =	ssyncset.done $0x0  }
0x18b: {  	[sflag:s4] =	ssyncadd.s32 $0xFFFF8000  }
0x18c: {  	_ =	swait.ge [sflag:s4], $0x8000  }
0x18d: {  	[sflag:s4] =	ssyncset.done $0x0  }
0x18e: {  	[sflag:s4] =	ssyncadd.s32 $0xFFFF8000  }
0x18f: {  	_ =	swait.ge [sflag:s4], $0x8000  }
0x190: {  	[sflag:s4] =	ssyncset.done $0x0  }
0x191: {  	[sflag:s4] =	ssyncadd.s32 $0xFFFF8000  }
0x192: {  	_ =	swait.ge [sflag:s4], $0x8000  }
0x193: {  	[sflag:s4] =	ssyncset.done $0x0  }
0x194: {  	[sflag:s4] =	ssyncadd.s32 $0xFFFF8000  }
0x195: {  	_ =	swait.ge [sflag:s3], $0x8000  }
0x196: {  	[sflag:s3] =	ssyncset.done $0x0  }
0x197: {  	[sflag:s3] =	ssyncadd.s32 $0xFFFF8000  }
0x198: {  	_ =	swait.ge [sflag:s3], $0x8000  }
0x199: {  	p1 =	sne.s32 s0, $0x1;
	[sflag:s3] =	ssyncset.done $0x0  }
0x19a: {  	s0 =	sadd.s32 $0xFFFFFFFF, s0;
	s8 =	smov.u32 s5;
	[sflag:s3] =	ssyncadd.s32 $0xFFFF8000  }
.Ltmp2:
0x19b: {  	s17 =	smov.u32 s9;
	_ =	swait.ge [sflag:s3], $0x8000;
	(pc) =	sbr.rel @p1 .LBB2_2-.Ltmp2, $4  }
0x19c: {  	s18 =	smov.u32 s7;
	s5 =	smov.u32 s15;
	[sflag:s3] =	ssyncset.done $0x0  }
0x19d: {  	s9 =	smov.u32 s10;
	s10 =	smov.u32 s11;
	[sflag:s3] =	ssyncadd.s32 $0xFFFF8000  }
0x19e: {  	s11 =	smov.u32 s12;
	s12 =	smov.u32 s16;
	_ =	swait.ge [sflag:s3], $0x8000  }
0x19f: {  	s7 =	smov.u32 s13;
	s1 =	rddreg [dreg:$0x3];
	[sflag:s3] =	ssyncset.done $0x0  }
.LBB2_3:
0x1a0: {  	[sflag:s3] =	ssyncadd.s32 @p0 $0xFFFF8000  }
0x1a1: {  	[tilespmem:s2], [sflag:$0x1] =	stream.linear.gather [hbm4b:s1+s2], $0x8000, $0x38;
	[tilespmem:$0x10000] =	vst v63  }
0x1a2: {  	_ =	swait.ge [sflag:s31], $0x8000  }
0x1a3: {  	[sflag:s31] =	ssyncset.done $0x0  }
0x1a4: {  	s0 =	rddreg [dreg:$0x4];
	[sflag:s31] =	ssyncadd.s32 $0xFFFF8000  }
0x1a5: {  	[tilespmem:s14], [sflag:$0x1] =	stream.linear.gather [hbm4b:s0+s2], $0x8000, $0x38;
	[tilespmem:$0x10000] =	vst v63  }
0x1a6: {  	_ = 	snop  }
0x1a7: {  	[hbm4b:s6+s2] =	stream.linear.scatter [tilespmem:s2], [sflag:$0x2], $0x8000, $0x38;
	[tilespmem:$0x10000] =	vst v63  }
0x1a8: {  	s15 =	rddreg [dreg:$0x5]  }
0x1a9: {  	[hbm4b:s15+s2] =	stream.linear.scatter [tilespmem:s2], [sflag:$0x2], $0x8000, $0x38;
	[tilespmem:$0x10000] =	vst v63  }
0x1aa: {  	s16 =	rddreg [dreg:$0x6]  }
0x1ab: {  	[hbm4b:s16+s2] =	stream.linear.scatter [tilespmem:s2], [sflag:$0x2], $0x8000, $0x38;
	[tilespmem:$0x10000] =	vst v63  }
0x1ac: {  	s6 =	rddreg [dreg:$0x7]  }
0x1ad: {  	[hbm4b:s6+s2] =	stream.linear.scatter [tilespmem:s2], [sflag:$0x2], $0x8000, $0x38;
	[tilespmem:$0x10000] =	vst v63  }
0x1ae: {  	_ =	swait.ge [sflag:s31], $0x8000  }
0x1af: {  	[sflag:s31] =	ssyncset.done $0x0  }
0x1b0: {  	[sflag:s31] =	ssyncadd.s32 $0xFFFF8000  }
0x1b1: {  	_ =	swait.ge [sflag:s4], $0x8000  }
0x1b2: {  	[sflag:s4] =	ssyncset.done $0x0  }
0x1b3: {  	[sflag:s4] =	ssyncadd.s32 $0xFFFF8000  }
0x1b4: {  	_ =	swait.ge [sflag:s4], $0x8000  }
0x1b5: {  	[sflag:s4] =	ssyncset.done $0x0  }
0x1b6: {  	[sflag:s4] =	ssyncadd.s32 $0xFFFF8000  }
0x1b7: {  	_ =	swait.ge [sflag:s4], $0x8000  }
0x1b8: {  	[sflag:s4] =	ssyncset.done $0x0  }
0x1b9: {  	[sflag:s4] =	ssyncadd.s32 $0xFFFF8000  }
0x1ba: {  	_ =	swait.ge [sflag:s4], $0x8000  }
0x1bb: {  	[sflag:s4] =	ssyncset.done $0x0  }
0x1bc: {  	s13 =	rddreg [dreg:$0x8];
	[sflag:s4] =	ssyncadd.s32 $0xFFFF8000  }
0x1bd: {  	[tilespmem:s2], [sflag:$0x1] =	stream.linear.gather [hbm4b:s13+s2], $0x8000, $0x38;
	[tilespmem:$0x10000] =	vst v63  }
0x1be: {  	s15 =	rddreg [dreg:$0x9]  }
0x1bf: {  	[hbm4b:s15+s2] =	stream.linear.scatter [tilespmem:s14], [sflag:$0x3], $0x8000, $0x38;
	[tilespmem:$0x10000] =	vst v63  }
0x1c0: {  	s16 =	rddreg [dreg:$0xa]  }
0x1c1: {  	[hbm4b:s16+s2] =	stream.linear.scatter [tilespmem:s14], [sflag:$0x3], $0x8000, $0x38;
	[tilespmem:$0x10000] =	vst v63  }
0x1c2: {  	s6 =	rddreg [dreg:$0xb]  }
0x1c3: {  	[hbm4b:s6+s2] =	stream.linear.scatter [tilespmem:s14], [sflag:$0x3], $0x8000, $0x38;
	[tilespmem:$0x10000] =	vst v63  }
0x1c4: {  	s13 =	rddreg [dreg:$0xc]  }
0x1c5: {  	[hbm4b:s13+s2] =	stream.linear.scatter [tilespmem:s14], [sflag:$0x3], $0x8000, $0x38;
	[tilespmem:$0x10000] =	vst v63  }
0x1c6: {  	_ =	swait.ge [sflag:s31], $0x8000  }
0x1c7: {  	[sflag:s31] =	ssyncset.done $0x0  }
0x1c8: {  	[sflag:s31] =	ssyncadd.s32 $0xFFFF8000  }
0x1c9: {  	_ =	swait.ge [sflag:s3], $0x8000  }
0x1ca: {  	[sflag:s3] =	ssyncset.done $0x0  }
0x1cb: {  	[sflag:s3] =	ssyncadd.s32 $0xFFFF8000  }
0x1cc: {  	_ =	swait.ge [sflag:s3], $0x8000  }
0x1cd: {  	[sflag:s3] =	ssyncset.done $0x0  }
0x1ce: {  	[sflag:s3] =	ssyncadd.s32 $0xFFFF8000  }
0x1cf: {  	_ =	swait.ge [sflag:s3], $0x8000  }
0x1d0: {  	[sflag:s3] =	ssyncset.done $0x0  }
0x1d1: {  	[sflag:s3] =	ssyncadd.s32 $0xFFFF8000  }
0x1d2: {  	_ =	swait.ge [sflag:s3], $0x8000  }
0x1d3: {  	[sflag:s3] =	ssyncset.done $0x0  }
0x1d4: {  	s15 =	rddreg [dreg:$0xd];
	[sflag:s3] =	ssyncadd.s32 $0xFFFF8000  }
0x1d5: {  	[tilespmem:s14], [sflag:$0x1] =	stream.linear.gather [hbm4b:s15+s2], $0x8000, $0x38;
	[tilespmem:$0x10000] =	vst v63  }
0x1d6: {  	s16 =	rddreg [dreg:$0xe]  }
0x1d7: {  	[hbm4b:s16+s2] =	stream.linear.scatter [tilespmem:s2], [sflag:$0x2], $0x8000, $0x38;
	[tilespmem:$0x10000] =	vst v63  }
0x1d8: {  	s6 =	rddreg [dreg:$0xf]  }
0x1d9: {  	[hbm4b:s6+s2] =	stream.linear.scatter [tilespmem:s2], [sflag:$0x2], $0x8000, $0x38;
	[tilespmem:$0x10000] =	vst v63  }
0x1da: {  	s13 =	rddreg [dreg:$0x10]  }
0x1db: {  	[hbm4b:s13+s2] =	stream.linear.scatter [tilespmem:s2], [sflag:$0x2], $0x8000, $0x38;
	[tilespmem:$0x10000] =	vst v63  }
0x1dc: {  	s15 =	rddreg [dreg:$0x11]  }
0x1dd: {  	[hbm4b:s15+s2] =	stream.linear.scatter [tilespmem:s2], [sflag:$0x2], $0x8000, $0x38;
	[tilespmem:$0x10000] =	vst v63  }
0x1de: {  	_ =	swait.ge [sflag:s31], $0x8000  }
0x1df: {  	[sflag:s31] =	ssyncset.done $0x0  }
0x1e0: {  	[sflag:s31] =	ssyncadd.s32 $0xFFFF8000  }
0x1e1: {  	_ =	swait.ge [sflag:s4], $0x8000  }
0x1e2: {  	[sflag:s4] =	ssyncset.done $0x0  }
0x1e3: {  	[sflag:s4] =	ssyncadd.s32 $0xFFFF8000  }
0x1e4: {  	_ =	swait.ge [sflag:s4], $0x8000  }
0x1e5: {  	[sflag:s4] =	ssyncset.done $0x0  }
0x1e6: {  	[sflag:s4] =	ssyncadd.s32 $0xFFFF8000  }
0x1e7: {  	_ =	swait.ge [sflag:s4], $0x8000  }
0x1e8: {  	[sflag:s4] =	ssyncset.done $0x0  }
0x1e9: {  	[sflag:s4] =	ssyncadd.s32 $0xFFFF8000  }
0x1ea: {  	_ =	swait.ge [sflag:s4], $0x8000  }
0x1eb: {  	[sflag:s4] =	ssyncset.done $0x0  }
0x1ec: {  	s16 =	rddreg [dreg:$0x12];
	[sflag:s4] =	ssyncadd.s32 $0xFFFF8000  }
0x1ed: {  	[tilespmem:s2], [sflag:$0x1] =	stream.linear.gather [hbm4b:s16+s2], $0x8000, $0x38;
	[tilespmem:$0x10000] =	vst v63  }
0x1ee: {  	_ = 	snop  }
0x1ef: {  	[hbm4b:s26+s2] =	stream.linear.scatter [tilespmem:s14], [sflag:$0x3], $0x8000, $0x38;
	[tilespmem:$0x10000] =	vst v63  }
0x1f0: {  	_ = 	snop  }
0x1f1: {  	[hbm4b:s28+s2] =	stream.linear.scatter [tilespmem:s14], [sflag:$0x3], $0x8000, $0x38;
	[tilespmem:$0x10000] =	vst v63  }
0x1f2: {  	_ = 	snop  }
0x1f3: {  	[hbm4b:s29+s2] =	stream.linear.scatter [tilespmem:s14], [sflag:$0x3], $0x8000, $0x38;
	[tilespmem:$0x10000] =	vst v63  }
0x1f4: {  	_ = 	snop  }
0x1f5: {  	[hbm4b:s30+s2] =	stream.linear.scatter [tilespmem:s14], [sflag:$0x3], $0x8000, $0x38;
	[tilespmem:$0x10000] =	vst v63  }
0x1f6: {  	_ =	swait.ge [sflag:s31], $0x8000  }
0x1f7: {  	[sflag:s31] =	ssyncset.done $0x0  }
0x1f8: {  	[sflag:s31] =	ssyncadd.s32 $0xFFFF8000  }
0x1f9: {  	_ =	swait.ge [sflag:s3], $0x8000  }
0x1fa: {  	[sflag:s3] =	ssyncset.done $0x0  }
0x1fb: {  	[sflag:s3] =	ssyncadd.s32 $0xFFFF8000  }
0x1fc: {  	_ =	swait.ge [sflag:s3], $0x8000  }
0x1fd: {  	[sflag:s3] =	ssyncset.done $0x0  }
0x1fe: {  	[sflag:s3] =	ssyncadd.s32 $0xFFFF8000  }
0x1ff: {  	_ =	swait.ge [sflag:s3], $0x8000  }
0x200: {  	[sflag:s3] =	ssyncset.done $0x0  }
0x201: {  	[sflag:s3] =	ssyncadd.s32 $0xFFFF8000  }
0x202: {  	_ =	swait.ge [sflag:s3], $0x8000  }
0x203: {  	[sflag:s3] =	ssyncset.done $0x0  }
0x204: {  	[sflag:s3] =	ssyncadd.s32 $0xFFFF8000  }
0x205: {  	[tilespmem:s14], [sflag:$0x1] =	stream.linear.gather [hbm4b:s21+s2], $0x8000, $0x38;
	[tilespmem:$0x10000] =	vst v63  }
0x206: {  	_ = 	snop  }
0x207: {  	[hbm4b:s22+s2] =	stream.linear.scatter [tilespmem:s2], [sflag:$0x2], $0x8000, $0x38;
	[tilespmem:$0x10000] =	vst v63  }
0x208: {  	_ = 	snop  }
0x209: {  	[hbm4b:s23+s2] =	stream.linear.scatter [tilespmem:s2], [sflag:$0x2], $0x8000, $0x38;
	[tilespmem:$0x10000] =	vst v63  }
0x20a: {  	_ = 	snop  }
0x20b: {  	[hbm4b:s24+s2] =	stream.linear.scatter [tilespmem:s2], [sflag:$0x2], $0x8000, $0x38;
	[tilespmem:$0x10000] =	vst v63  }
0x20c: {  	_ = 	snop  }
0x20d: {  	[hbm4b:s25+s2] =	stream.linear.scatter [tilespmem:s2], [sflag:$0x2], $0x8000, $0x38;
	[tilespmem:$0x10000] =	vst v63  }
0x20e: {  	_ =	swait.ge [sflag:s31], $0x8000  }
0x20f: {  	[sflag:s31] =	ssyncset.done $0x0  }
0x210: {  	[sflag:s31] =	ssyncadd.s32 $0xFFFF8000  }
0x211: {  	_ =	swait.ge [sflag:s4], $0x8000  }
0x212: {  	[sflag:s4] =	ssyncset.done $0x0  }
0x213: {  	[sflag:s4] =	ssyncadd.s32 $0xFFFF8000  }
0x214: {  	_ =	swait.ge [sflag:s4], $0x8000  }
0x215: {  	[sflag:s4] =	ssyncset.done $0x0  }
0x216: {  	[sflag:s4] =	ssyncadd.s32 $0xFFFF8000  }
0x217: {  	_ =	swait.ge [sflag:s4], $0x8000  }
0x218: {  	[sflag:s4] =	ssyncset.done $0x0  }
0x219: {  	[sflag:s4] =	ssyncadd.s32 $0xFFFF8000  }
0x21a: {  	_ =	swait.ge [sflag:s4], $0x8000  }
0x21b: {  	[sflag:s4] =	ssyncset.done $0x0  }
0x21c: {  	s28 =	rddreg [dreg:$0x14];
	[sflag:s4] =	ssyncadd.s32 $0xFFFF8000  }
0x21d: {  	[tilespmem:s2], [sflag:$0x1] =	stream.linear.gather [hbm4b:s28+s2], $0x8000, $0x38;
	[tilespmem:$0x10000] =	vst v63  }
0x21e: {  	s29 =	rddreg [dreg:$0x15]  }
0x21f: {  	[hbm4b:s29+s2] =	stream.linear.scatter [tilespmem:s14], [sflag:$0x3], $0x8000, $0x38;
	[tilespmem:$0x10000] =	vst v63  }
0x220: {  	s30 =	rddreg [dreg:$0x16]  }
0x221: {  	[hbm4b:s30+s2] =	stream.linear.scatter [tilespmem:s14], [sflag:$0x3], $0x8000, $0x38;
	[tilespmem:$0x10000] =	vst v63  }
0x222: {  	_ = 	snop  }
0x223: {  	[hbm4b:s19+s2] =	stream.linear.scatter [tilespmem:s14], [sflag:$0x3], $0x8000, $0x38;
	[tilespmem:$0x10000] =	vst v63  }
0x224: {  	_ = 	snop  }
0x225: {  	[hbm4b:s20+s2] =	stream.linear.scatter [tilespmem:s14], [sflag:$0x3], $0x8000, $0x38;
	[tilespmem:$0x10000] =	vst v63  }
0x226: {  	_ =	swait.ge [sflag:s31], $0x8000  }
0x227: {  	[sflag:s31] =	ssyncset.done $0x0  }
0x228: {  	[sflag:s31] =	ssyncadd.s32 $0xFFFF8000  }
0x229: {  	_ =	swait.ge [sflag:s3], $0x8000  }
0x22a: {  	[sflag:s3] =	ssyncset.done $0x0  }
0x22b: {  	[sflag:s3] =	ssyncadd.s32 $0xFFFF8000  }
0x22c: {  	_ =	swait.ge [sflag:s3], $0x8000  }
0x22d: {  	[sflag:s3] =	ssyncset.done $0x0  }
0x22e: {  	[sflag:s3] =	ssyncadd.s32 $0xFFFF8000  }
0x22f: {  	_ =	swait.ge [sflag:s3], $0x8000  }
0x230: {  	[sflag:s3] =	ssyncset.done $0x0  }
0x231: {  	[sflag:s3] =	ssyncadd.s32 $0xFFFF8000  }
0x232: {  	_ =	swait.ge [sflag:s3], $0x8000  }
0x233: {  	[sflag:s3] =	ssyncset.done $0x0  }
0x234: {  	[sflag:s3] =	ssyncadd.s32 $0xFFFF8000  }
0x235: {  	[tilespmem:s14], [sflag:$0x1] =	stream.linear.gather [hbm4b:s8+s2], $0x8000, $0x38;
	[tilespmem:$0x10000] =	vst v63  }
0x236: {  	_ = 	snop  }
0x237: {  	[hbm4b:s17+s2] =	stream.linear.scatter [tilespmem:s2], [sflag:$0x2], $0x8000, $0x38;
	[tilespmem:$0x10000] =	vst v63  }
0x238: {  	_ = 	snop  }
0x239: {  	[hbm4b:s9+s2] =	stream.linear.scatter [tilespmem:s2], [sflag:$0x2], $0x8000, $0x38;
	[tilespmem:$0x10000] =	vst v63  }
0x23a: {  	_ = 	snop  }
0x23b: {  	[hbm4b:s10+s2] =	stream.linear.scatter [tilespmem:s2], [sflag:$0x2], $0x8000, $0x38;
	[tilespmem:$0x10000] =	vst v63  }
0x23c: {  	_ = 	snop  }
0x23d: {  	[hbm4b:s11+s2] =	stream.linear.scatter [tilespmem:s2], [sflag:$0x2], $0x8000, $0x38;
	[tilespmem:$0x10000] =	vst v63  }
0x23e: {  	_ =	swait.ge [sflag:s31], $0x8000  }
0x23f: {  	[sflag:s31] =	ssyncset.done $0x0  }
0x240: {  	[sflag:s31] =	ssyncadd.s32 $0xFFFF8000  }
0x241: {  	[hbm4b:s5+s2] =	stream.linear.scatter [tilespmem:s14], [sflag:$0x3], $0x8000, $0x38;
	[tilespmem:$0x10000] =	vst v63  }
0x242: {  	_ = 	snop  }
0x243: {  	[hbm4b:s18+s2] =	stream.linear.scatter [tilespmem:s14], [sflag:$0x3], $0x8000, $0x38;
	[tilespmem:$0x10000] =	vst v63  }
0x244: {  	_ = 	snop  }
0x245: {  	[hbm4b:s7+s2] =	stream.linear.scatter [tilespmem:s14], [sflag:$0x3], $0x8000, $0x38;
	[tilespmem:$0x10000] =	vst v63  }
0x246: {  	_ = 	snop  }
0x247: {  	[hbm4b:s12+s2] =	stream.linear.scatter [tilespmem:s14], [sflag:$0x3], $0x8000, $0x38;
	[tilespmem:$0x10000] =	vst v63  }
0x248: {  	_ =	swait.ge [sflag:s4], $0x8000  }
0x249: {  	[sflag:s4] =	ssyncset.done $0x0  }
0x24a: {  	[sflag:s4] =	ssyncadd.s32 $0xFFFF8000  }
0x24b: {  	_ =	swait.ge [sflag:s4], $0x8000  }
0x24c: {  	[sflag:s4] =	ssyncset.done $0x0  }
0x24d: {  	[sflag:s4] =	ssyncadd.s32 $0xFFFF8000  }
0x24e: {  	_ =	swait.ge [sflag:s4], $0x8000  }
0x24f: {  	[sflag:s4] =	ssyncset.done $0x0  }
0x250: {  	[sflag:s4] =	ssyncadd.s32 $0xFFFF8000  }
0x251: {  	_ =	swait.ge [sflag:s4], $0x8000  }
0x252: {  	[sflag:s4] =	ssyncset.done $0x0  }
0x253: {  	[sflag:s4] =	ssyncadd.s32 $0xFFFF8000  }
0x254: {  	_ =	swait.ge [sflag:s3], $0x8000  }
0x255: {  	[sflag:s3] =	ssyncset.done $0x0  }
0x256: {  	[sflag:s3] =	ssyncadd.s32 $0xFFFF8000  }
0x257: {  	_ =	swait.ge [sflag:s3], $0x8000  }
0x258: {  	[sflag:s3] =	ssyncset.done $0x0  }
0x259: {  	[sflag:s3] =	ssyncadd.s32 $0xFFFF8000  }
0x25a: {  	_ =	swait.ge [sflag:s3], $0x8000  }
0x25b: {  	[sflag:s3] =	ssyncset.done $0x0  }
0x25c: {  	[sflag:s3] =	ssyncadd.s32 $0xFFFF8000  }
0x25d: {  	_ =	swait.ge [sflag:s3], $0x8000  }
0x25e: {  	[sflag:s3] =	ssyncset.done $0x0  }
0x25f: {  	[sflag:s3] =	ssyncadd.s32 $0xFFFF8000  }
0x260: {  	_ =	sfence.sel $0x180000  }
0x261: {  	[bflag:$0x0] =	sbarrier.arrive $0xFFFF  }
0x262: {  	_ =	strace $0x90000047  }
0x263: {  	s31 =	stileid.u32;
	[bflag:$0x2] =	sbarrier.arrive $0xFFFF  }
0x264: {  	p0 =	sne.s32 s31, $0x0;
	s0 =	rddreg [dreg:$0x2]  }
0x265: {  	s0 =	sadd.s32 @!p0 $0x100000, s0  }
0x266: {  	[sflag:s0] =	ssyncadd.tile.s32 @!p0 $0x1;
	_ =	shalt  }
.Lfunc_end2:
_tile_overlayer_lowered:
.L_overlay_start_2:
0x267: {  	(tag) =	ssettag $0x2  }
0x268: {  	s0 =	rddreg [dreg:$0x0];
	s2 =	stileid.u32  }
0x269: {  	s1 =	rddreg [dreg:$0x1];
	p0 =	sne.s32 s2, $0x0  }
0x26a: {  	s3 =	rddreg [dreg:$0x2];
	[bflag:$0x3] =	sbarrier.arrive $0xFFFF;
	s2 =	simm.s32 @!p0 $0x1C04  }
0x26b: {  	[timem:s3], [sflag:s2] =	dma.local @!p0 [hbm:s0], s1  }
0x26c: {  	s0 =	simm.s32 @!p0 $0x4  }
0x26d: {  	_ =	swait.ge @!p0 [sflag:s0], s1  }
0x26e: {  	s1 =	ssub.s32 @!p0 $0x0, s1;
	[sflag:s0] =	ssyncset.done @!p0 $0x0  }
0x26f: {  	[sflag:s0] =	ssyncadd.s32 @!p0 s1  }
0x270: {  	[bflag:$0x3] =	sbarrier.arrive $0xFFFF  }
0x271: {  	_ =	shalt  }

</sc_bundles>
